<compile_context>
chip_gen: v7x
topology: tpu7x:2x2x1
jax: 0.10.2.dev20260603
libtpu: 0.0.44.dev20260713+nightly
codegen_flags: <defaults>
</compile_context>

<pallas_src>
import functools

import jax
import jax.numpy as jnp
import numpy as np
from jax import lax
from jax.experimental import pallas as pl
from jax.experimental.pallas import tpu as pltpu
from jax.experimental.pallas import tpu_sc as plsc

SQRT3 = np.float32(3 ** 0.5)
HALF = np.float32(0.5)
MAGIC = np.float32(12582912.0)

NUM_WORKERS = 32
ROUNDS = 4


def _rne(v):
    return (v + MAGIC) - MAGIC


def _compute(src, dst, nvec):
    @plsc.parallel_loop(0, nvec, 1, unroll=4)
    def vec_body(v):
        off = lax.shift_left(v >> 3, 8) + lax.shift_left(v & 7, 4)
        a0 = src[pl.ds(off, 16)]
        a1 = src[pl.ds(off + 128, 16)]
        s1 = a1 / SQRT3
        r10 = _rne(a0)
        r11 = _rne(s1)
        r20 = _rne(a0 - HALF) + HALF
        r21 = _rne(s1 - HALF) + HALF
        y11 = r11 * SQRT3
        y21 = r21 * SQRT3
        e10 = a0 - r10
        e11 = a1 - y11
        e20 = a0 - r20
        e21 = a1 - y21
        d1 = e10 * e10 + e11 * e11
        d2 = e20 * e20 + e21 * e21
        take = d1 <= d2
        dst[pl.ds(off, 16)] = jnp.where(take, r10, r20)
        dst[pl.ds(off + 128, 16)] = jnp.where(take, y11, y21)


def _sc_body(x_hbm, o_hbm, in0, in1, out0, out1, sems, chunk):
    wid = lax.axis_index("c") * 16 + lax.axis_index("s")
    base = wid * chunk
    sub = chunk // ROUNDS
    nvec = sub // 32
    ins = (in0, in1)
    outs = (out0, out1)

    in_copies = [None] * ROUNDS
    out_copies = [None] * ROUNDS
    in_copies[0] = pltpu.async_copy(x_hbm.at[pl.ds(base, sub)], ins[0], sems.at[0])
    for r in range(ROUNDS):
        b = r % 2
        if r + 1 < ROUNDS:
            in_copies[r + 1] = pltpu.async_copy(
                x_hbm.at[pl.ds(base + (r + 1) * sub, sub)], ins[1 - b], sems.at[1 - b]
            )
        in_copies[r].wait()
        if r >= 2:
            out_copies[r - 2].wait()
        _compute(ins[b], outs[b], nvec)
        out_copies[r] = pltpu.async_copy(
            outs[b], o_hbm.at[pl.ds(base + r * sub, sub)], sems.at[2 + b]
        )
    out_copies[ROUNDS - 2].wait()
    out_copies[ROUNDS - 1].wait()


def kernel(x):
    n = x.shape[0]
    total = 2 * n
    chunk = total // NUM_WORKERS
    sub = chunk // ROUNDS
    xf = x.reshape(n // 128, 128, 2).transpose(0, 2, 1).reshape(total)
    mesh = plsc.VectorSubcoreMesh(core_axis_name="c", subcore_axis_name="s")
    out = pl.kernel(
        functools.partial(_sc_body, chunk=chunk),
        out_type=jax.ShapeDtypeStruct((total,), jnp.float32),
        mesh=mesh,
        scratch_types=[
            pltpu.VMEM((sub,), jnp.float32),
            pltpu.VMEM((sub,), jnp.float32),
            pltpu.VMEM((sub,), jnp.float32),
            pltpu.VMEM((sub,), jnp.float32),
            pltpu.SemaphoreType.DMA((4,)),
        ],
    )(xf)
    return out.reshape(n // 128, 2, 128).transpose(0, 2, 1).reshape(n, 2)

# --- scband reference (transcript-rebuilt; emitter-appended) ---
"""Pipeline reference for scband-hexagonal-quantizer-59785944760418 (READ-ONLY COPY).

The authoritative reference and input builder live on the scoring server;
editing this copy changes nothing except your own understanding.
"""

import jax, jax.numpy as jnp
import numpy as np

SQRT3 = 3 ** 0.5

def setup_inputs(seed: int = 0) -> dict:
    key = jax.random.key(seed)
    x = jax.random.normal(key, (1048576, 2), dtype=jnp.float32)
    return {"x": x}

def reference(x):
    # x_scaled: divide second coordinate by sqrt(3)
    x_scaled = x.at[:, 1].set(x[:, 1] / SQRT3)
    y1 = jnp.round(x_scaled)
    y2 = jnp.round(x_scaled - 0.5) + 0.5
    y1 = y1.at[:, 1].set(y1[:, 1] * SQRT3)
    y2 = y2.at[:, 1].set(y2[:, 1] * SQRT3)
    codebooks = jnp.stack((y1, y2), axis=1)  # [N, 2, 2]
    scores = jnp.stack((jnp.linalg.norm(x - y1, axis=1), jnp.linalg.norm(x - y2, axis=1)), axis=1)  # [N, 2]
    idx = jnp.argmin(scores, axis=1)  # [N]
    y = codebooks[jnp.arange(codebooks.shape[0]), idx, :]  # gather nearest lattice point
    return y

if __name__ == "__main__":
    import jax
    _d = setup_inputs()
    print(jax.jit(kernel)(*tuple(_d.values())))

</pallas_src>

<mosaic_0001>
#map = affine_map<(d0, d1) -> (0)>
module attributes {stable_mosaic.version = 14 : i64} {
  func.func @_sc_body(%arg0: i32, %arg1: i32, %arg2: memref<2097152xf32, #tpu.memory_space<hbm>>, %arg3: memref<2097152xf32, #tpu.memory_space<hbm>>, %arg4: memref<16384xf32, #tpu.memory_space<vmem>>, %arg5: memref<16384xf32, #tpu.memory_space<vmem>>, %arg6: memref<16384xf32, #tpu.memory_space<vmem>>, %arg7: memref<16384xf32, #tpu.memory_space<vmem>>, %arg8: memref<4x!tpu.dma_semaphore, #tpu.memory_space<semaphore_mem>>) attributes {dimension_semantics = [#tpu.dimension_semantics<core_parallel>, #tpu.dimension_semantics<subcore_parallel>], iteration_bounds = array<i64: 2, 16>, scalar_prefetch = 0 : i64, scratch_operands = 5 : i64, tpu.core_type = #tpu.core_type<sc_vector_subcore>, window_params = [{transform_indices = #map}, {transform_indices = #map}]} {
    %mul3A = arith.constant 16 : i32
    %mul3A_0 = arith.muli %arg0, %mul3A : i32
    %add3A = arith.addi %mul3A_0, %arg1 : i32
    %mul3A_1 = arith.constant 65536 : i32
    %mul3A_2 = arith.muli %add3A, %mul3A_1 : i32
    %dma_start3A = arith.constant 0 : i32
    %dma_start3A_3 = tpu.memref_slice %arg2[%mul3A_2] : memref<2097152xf32, #tpu.memory_space<hbm>> -> memref<16384xf32, #tpu.memory_space<hbm>>
    %dma_start3A_4 = tpu.memref_slice %arg8[%dma_start3A] : memref<4x!tpu.dma_semaphore, #tpu.memory_space<semaphore_mem>> -> memref<1x!tpu.dma_semaphore, #tpu.memory_space<semaphore_mem>>
    %dma_start3A_5 = tpu.memref_squeeze %dma_start3A_4 : memref<1x!tpu.dma_semaphore, #tpu.memory_space<semaphore_mem>> -> memref<!tpu.dma_semaphore, #tpu.memory_space<semaphore_mem>>
    %dma_start3A_6 = tpu.memref_slice %arg2[%mul3A_2] : memref<2097152xf32, #tpu.memory_space<hbm>> -> memref<16384xf32, #tpu.memory_space<hbm>>
    tpu.enqueue_dma source(%dma_start3A_6 : memref<16384xf32, #tpu.memory_space<hbm>>) target(%arg4 : memref<16384xf32, #tpu.memory_space<vmem>>) target_semaphore(%dma_start3A_5 : memref<!tpu.dma_semaphore, #tpu.memory_space<semaphore_mem>>)
    %add3A_7 = arith.constant 16384 : i32
    %add3A_8 = arith.addi %mul3A_2, %add3A_7 : i32
    %dma_start3A_9 = arith.constant 1 : i32
    %dma_start3A_10 = tpu.memref_slice %arg2[%add3A_8] : memref<2097152xf32, #tpu.memory_space<hbm>> -> memref<16384xf32, #tpu.memory_space<hbm>>
    %dma_start3A_11 = tpu.memref_slice %arg8[%dma_start3A_9] : memref<4x!tpu.dma_semaphore, #tpu.memory_space<semaphore_mem>> -> memref<1x!tpu.dma_semaphore, #tpu.memory_space<semaphore_mem>>
    %dma_start3A_12 = tpu.memref_squeeze %dma_start3A_11 : memref<1x!tpu.dma_semaphore, #tpu.memory_space<semaphore_mem>> -> memref<!tpu.dma_semaphore, #tpu.memory_space<semaphore_mem>>
    %dma_start3A_13 = tpu.memref_slice %arg2[%add3A_8] : memref<2097152xf32, #tpu.memory_space<hbm>> -> memref<16384xf32, #tpu.memory_space<hbm>>
    tpu.enqueue_dma source(%dma_start3A_13 : memref<16384xf32, #tpu.memory_space<hbm>>) target(%arg5 : memref<16384xf32, #tpu.memory_space<vmem>>) target_semaphore(%dma_start3A_12 : memref<!tpu.dma_semaphore, #tpu.memory_space<semaphore_mem>>)
    %dma_wait3A = arith.constant 0 : i32
    %dma_wait3A_14 = tpu.memref_slice %arg2[%mul3A_2] : memref<2097152xf32, #tpu.memory_space<hbm>> -> memref<16384xf32, #tpu.memory_space<hbm>>
    %dma_wait3A_15 = tpu.memref_slice %arg8[%dma_wait3A] : memref<4x!tpu.dma_semaphore, #tpu.memory_space<semaphore_mem>> -> memref<1x!tpu.dma_semaphore, #tpu.memory_space<semaphore_mem>>
    %dma_wait3A_16 = tpu.memref_squeeze %dma_wait3A_15 : memref<1x!tpu.dma_semaphore, #tpu.memory_space<semaphore_mem>> -> memref<!tpu.dma_semaphore, #tpu.memory_space<semaphore_mem>>
    %dma_wait3A_17 = tpu.memref_slice %arg2[%mul3A_2] : memref<2097152xf32, #tpu.memory_space<hbm>> -> memref<16384xf32, #tpu.memory_space<hbm>>
    tpu.wait_dma2 semaphore(%dma_wait3A_16 : memref<!tpu.dma_semaphore, #tpu.memory_space<semaphore_mem>>) src(%dma_wait3A_17 : memref<16384xf32, #tpu.memory_space<hbm>>) dst(%arg4 : memref<16384xf32, #tpu.memory_space<vmem>>)
    %parallel_loop3A = arith.constant 0 : i32
    %parallel_loop3A_18 = arith.constant 512 : i32
    %parallel_loop3A_19 = arith.constant 1 : i32
    scf.for %parallel_loop3A_106 = %parallel_loop3A to %parallel_loop3A_18 step %parallel_loop3A_19  : i32 {
      %parallel_loop3A_107 = arith.constant 3 : i32
      %parallel_loop3A_108 = arith.shrsi %parallel_loop3A_106, %parallel_loop3A_107 : i32
      %parallel_loop3A_109 = arith.constant 8 : i32
      %parallel_loop3A_110 = arith.shli %parallel_loop3A_108, %parallel_loop3A_109 : i32
      %parallel_loop3A_111 = arith.constant 7 : i32
      %parallel_loop3A_112 = arith.andi %parallel_loop3A_106, %parallel_loop3A_111 : i32
      %parallel_loop3A_113 = arith.constant 4 : i32
      %parallel_loop3A_114 = arith.shli %parallel_loop3A_112, %parallel_loop3A_113 : i32
      %parallel_loop3A_115 = arith.addi %parallel_loop3A_110, %parallel_loop3A_114 : i32
      %parallel_loop3A_116 = arith.index_cast %parallel_loop3A_115 : i32 to index
      %parallel_loop3A_117 = tpu.vector_load %arg4[%parallel_loop3A_116] {strides = array<i32>} : memref<16384xf32, #tpu.memory_space<vmem>>, vector<16xf32>,
      %parallel_loop3A_118 = vector.shape_cast %parallel_loop3A_117 : vector<16xf32> to vector<16xf32>
      %parallel_loop3A_119 = arith.constant 128 : i32
      %parallel_loop3A_120 = arith.addi %parallel_loop3A_115, %parallel_loop3A_119 : i32
      %parallel_loop3A_121 = arith.index_cast %parallel_loop3A_120 : i32 to index
      %parallel_loop3A_122 = tpu.vector_load %arg4[%parallel_loop3A_121] {strides = array<i32>} : memref<16384xf32, #tpu.memory_space<vmem>>, vector<16xf32>,
      %parallel_loop3A_123 = vector.shape_cast %parallel_loop3A_122 : vector<16xf32> to vector<16xf32>
      %parallel_loop3A_124 = arith.constant 1.73205078 : f32
      %parallel_loop3A_125 = vector.broadcast %parallel_loop3A_124 : f32 to vector<16xf32>
      %parallel_loop3A_126 = arith.divf %parallel_loop3A_123, %parallel_loop3A_125 : vector<16xf32>
      %parallel_loop3A_127 = arith.constant 0x4B400000 : f32
      %parallel_loop3A_128 = vector.broadcast %parallel_loop3A_127 : f32 to vector<16xf32>
      %parallel_loop3A_129 = arith.addf %parallel_loop3A_118, %parallel_loop3A_128 : vector<16xf32>
      %parallel_loop3A_130 = arith.constant 0x4B400000 : f32
      %parallel_loop3A_131 = vector.broadcast %parallel_loop3A_130 : f32 to vector<16xf32>
      %parallel_loop3A_132 = arith.subf %parallel_loop3A_129, %parallel_loop3A_131 : vector<16xf32>
      %parallel_loop3A_133 = arith.constant 0x4B400000 : f32
      %parallel_loop3A_134 = vector.broadcast %parallel_loop3A_133 : f32 to vector<16xf32>
      %parallel_loop3A_135 = arith.addf %parallel_loop3A_126, %parallel_loop3A_134 : vector<16xf32>
      %parallel_loop3A_136 = arith.constant 0x4B400000 : f32
      %parallel_loop3A_137 = vector.broadcast %parallel_loop3A_136 : f32 to vector<16xf32>
      %parallel_loop3A_138 = arith.subf %parallel_loop3A_135, %parallel_loop3A_137 : vector<16xf32>
      %parallel_loop3A_139 = arith.constant 5.000000e-01 : f32
      %parallel_loop3A_140 = vector.broadcast %parallel_loop3A_139 : f32 to vector<16xf32>
      %parallel_loop3A_141 = arith.subf %parallel_loop3A_118, %parallel_loop3A_140 : vector<16xf32>
      %parallel_loop3A_142 = arith.constant 0x4B400000 : f32
      %parallel_loop3A_143 = vector.broadcast %parallel_loop3A_142 : f32 to vector<16xf32>
      %parallel_loop3A_144 = arith.addf %parallel_loop3A_141, %parallel_loop3A_143 : vector<16xf32>
      %parallel_loop3A_145 = arith.constant 0x4B400000 : f32
      %parallel_loop3A_146 = vector.broadcast %parallel_loop3A_145 : f32 to vector<16xf32>
      %parallel_loop3A_147 = arith.subf %parallel_loop3A_144, %parallel_loop3A_146 : vector<16xf32>
      %parallel_loop3A_148 = arith.constant 5.000000e-01 : f32
      %parallel_loop3A_149 = vector.broadcast %parallel_loop3A_148 : f32 to vector<16xf32>
      %parallel_loop3A_150 = arith.addf %parallel_loop3A_147, %parallel_loop3A_149 : vector<16xf32>
      %parallel_loop3A_151 = arith.constant 5.000000e-01 : f32
      %parallel_loop3A_152 = vector.broadcast %parallel_loop3A_151 : f32 to vector<16xf32>
      %parallel_loop3A_153 = arith.subf %parallel_loop3A_126, %parallel_loop3A_152 : vector<16xf32>
      %parallel_loop3A_154 = arith.constant 0x4B400000 : f32
      %parallel_loop3A_155 = vector.broadcast %parallel_loop3A_154 : f32 to vector<16xf32>
      %parallel_loop3A_156 = arith.addf %parallel_loop3A_153, %parallel_loop3A_155 : vector<16xf32>
      %parallel_loop3A_157 = arith.constant 0x4B400000 : f32
      %parallel_loop3A_158 = vector.broadcast %parallel_loop3A_157 : f32 to vector<16xf32>
      %parallel_loop3A_159 = arith.subf %parallel_loop3A_156, %parallel_loop3A_158 : vector<16xf32>
      %parallel_loop3A_160 = arith.constant 5.000000e-01 : f32
      %parallel_loop3A_161 = vector.broadcast %parallel_loop3A_160 : f32 to vector<16xf32>
      %parallel_loop3A_162 = arith.addf %parallel_loop3A_159, %parallel_loop3A_161 : vector<16xf32>
      %parallel_loop3A_163 = arith.constant 1.73205078 : f32
      %parallel_loop3A_164 = vector.broadcast %parallel_loop3A_163 : f32 to vector<16xf32>
      %parallel_loop3A_165 = arith.mulf %parallel_loop3A_138, %parallel_loop3A_164 : vector<16xf32>
      %parallel_loop3A_166 = arith.constant 1.73205078 : f32
      %parallel_loop3A_167 = vector.broadcast %parallel_loop3A_166 : f32 to vector<16xf32>
      %parallel_loop3A_168 = arith.mulf %parallel_loop3A_162, %parallel_loop3A_167 : vector<16xf32>
      %parallel_loop3A_169 = arith.subf %parallel_loop3A_118, %parallel_loop3A_132 : vector<16xf32>
      %parallel_loop3A_170 = arith.subf %parallel_loop3A_123, %parallel_loop3A_165 : vector<16xf32>
      %parallel_loop3A_171 = arith.subf %parallel_loop3A_118, %parallel_loop3A_150 : vector<16xf32>
      %parallel_loop3A_172 = arith.subf %parallel_loop3A_123, %parallel_loop3A_168 : vector<16xf32>
      %parallel_loop3A_173 = arith.mulf %parallel_loop3A_169, %parallel_loop3A_169 : vector<16xf32>
      %parallel_loop3A_174 = arith.mulf %parallel_loop3A_170, %parallel_loop3A_170 : vector<16xf32>
      %parallel_loop3A_175 = arith.addf %parallel_loop3A_173, %parallel_loop3A_174 : vector<16xf32>
      %parallel_loop3A_176 = arith.mulf %parallel_loop3A_171, %parallel_loop3A_171 : vector<16xf32>
      %parallel_loop3A_177 = arith.mulf %parallel_loop3A_172, %parallel_loop3A_172 : vector<16xf32>
      %parallel_loop3A_178 = arith.addf %parallel_loop3A_176, %parallel_loop3A_177 : vector<16xf32>
      %parallel_loop3A_179 = arith.cmpf ole, %parallel_loop3A_175, %parallel_loop3A_178 : vector<16xf32>
      %parallel_loop3A_180 = arith.select %parallel_loop3A_179, %parallel_loop3A_132, %parallel_loop3A_150 : vector<16xi1>, vector<16xf32>
      %parallel_loop3A_181 = arith.index_cast %parallel_loop3A_115 : i32 to index
      %parallel_loop3A_182 = tpu.vector_load %arg6[%parallel_loop3A_181] {strides = array<i32>} : memref<16384xf32, #tpu.memory_space<vmem>>, vector<16xf32>,
      %parallel_loop3A_183 = vector.shape_cast %parallel_loop3A_182 : vector<16xf32> to vector<16xf32>
      %parallel_loop3A_184 = vector.shape_cast %parallel_loop3A_180 : vector<16xf32> to vector<16xf32>
      tpu.vector_store %arg6[%parallel_loop3A_181], %parallel_loop3A_184 {strides = array<i32>} : memref<16384xf32, #tpu.memory_space<vmem>>, vector<16xf32>,
      %parallel_loop3A_185 = arith.select %parallel_loop3A_179, %parallel_loop3A_165, %parallel_loop3A_168 : vector<16xi1>, vector<16xf32>
      %parallel_loop3A_186 = arith.constant 128 : i32
      %parallel_loop3A_187 = arith.addi %parallel_loop3A_115, %parallel_loop3A_186 : i32
      %parallel_loop3A_188 = arith.index_cast %parallel_loop3A_187 : i32 to index
      %parallel_loop3A_189 = tpu.vector_load %arg6[%parallel_loop3A_188] {strides = array<i32>} : memref<16384xf32, #tpu.memory_space<vmem>>, vector<16xf32>,
      %parallel_loop3A_190 = vector.shape_cast %parallel_loop3A_189 : vector<16xf32> to vector<16xf32>
      %parallel_loop3A_191 = vector.shape_cast %parallel_loop3A_185 : vector<16xf32> to vector<16xf32>
      tpu.vector_store %arg6[%parallel_loop3A_188], %parallel_loop3A_191 {strides = array<i32>} : memref<16384xf32, #tpu.memory_space<vmem>>, vector<16xf32>,
    } {sc.loop_unroll_factor = 4 : i64, sc.parallel_access}
    %add3A_20 = arith.constant 0 : i32
    %add3A_21 = arith.addi %mul3A_2, %add3A_20 : i32
    %dma_start3A_22 = arith.constant 2 : i32
    %dma_start3A_23 = tpu.memref_slice %arg3[%add3A_21] : memref<2097152xf32, #tpu.memory_space<hbm>> -> memref<16384xf32, #tpu.memory_space<hbm>>
    %dma_start3A_24 = tpu.memref_slice %arg8[%dma_start3A_22] : memref<4x!tpu.dma_semaphore, #tpu.memory_space<semaphore_mem>> -> memref<1x!tpu.dma_semaphore, #tpu.memory_space<semaphore_mem>>
    %dma_start3A_25 = tpu.memref_squeeze %dma_start3A_24 : memref<1x!tpu.dma_semaphore, #tpu.memory_space<semaphore_mem>> -> memref<!tpu.dma_semaphore, #tpu.memory_space<semaphore_mem>>
    %dma_start3A_26 = tpu.memref_slice %arg3[%add3A_21] : memref<2097152xf32, #tpu.memory_space<hbm>> -> memref<16384xf32, #tpu.memory_space<hbm>>
    tpu.enqueue_dma source(%arg6 : memref<16384xf32, #tpu.memory_space<vmem>>) target(%dma_start3A_26 : memref<16384xf32, #tpu.memory_space<hbm>>) target_semaphore(%dma_start3A_25 : memref<!tpu.dma_semaphore, #tpu.memory_space<semaphore_mem>>)
    %add3A_27 = arith.constant 32768 : i32
    %add3A_28 = arith.addi %mul3A_2, %add3A_27 : i32
    %dma_start3A_29 = arith.constant 0 : i32
    %dma_start3A_30 = tpu.memref_slice %arg2[%add3A_28] : memref<2097152xf32, #tpu.memory_space<hbm>> -> memref<16384xf32, #tpu.memory_space<hbm>>
    %dma_start3A_31 = tpu.memref_slice %arg8[%dma_start3A_29] : memref<4x!tpu.dma_semaphore, #tpu.memory_space<semaphore_mem>> -> memref<1x!tpu.dma_semaphore, #tpu.memory_space<semaphore_mem>>
    %dma_start3A_32 = tpu.memref_squeeze %dma_start3A_31 : memref<1x!tpu.dma_semaphore, #tpu.memory_space<semaphore_mem>> -> memref<!tpu.dma_semaphore, #tpu.memory_space<semaphore_mem>>
    %dma_start3A_33 = tpu.memref_slice %arg2[%add3A_28] : memref<2097152xf32, #tpu.memory_space<hbm>> -> memref<16384xf32, #tpu.memory_space<hbm>>
    tpu.enqueue_dma source(%dma_start3A_33 : memref<16384xf32, #tpu.memory_space<hbm>>) target(%arg4 : memref<16384xf32, #tpu.memory_space<vmem>>) target_semaphore(%dma_start3A_32 : memref<!tpu.dma_semaphore, #tpu.memory_space<semaphore_mem>>)
    %dma_wait3A_34 = arith.constant 1 : i32
    %dma_wait3A_35 = tpu.memref_slice %arg2[%add3A_8] : memref<2097152xf32, #tpu.memory_space<hbm>> -> memref<16384xf32, #tpu.memory_space<hbm>>
    %dma_wait3A_36 = tpu.memref_slice %arg8[%dma_wait3A_34] : memref<4x!tpu.dma_semaphore, #tpu.memory_space<semaphore_mem>> -> memref<1x!tpu.dma_semaphore, #tpu.memory_space<semaphore_mem>>
    %dma_wait3A_37 = tpu.memref_squeeze %dma_wait3A_36 : memref<1x!tpu.dma_semaphore, #tpu.memory_space<semaphore_mem>> -> memref<!tpu.dma_semaphore, #tpu.memory_space<semaphore_mem>>
    %dma_wait3A_38 = tpu.memref_slice %arg2[%add3A_8] : memref<2097152xf32, #tpu.memory_space<hbm>> -> memref<16384xf32, #tpu.memory_space<hbm>>
    tpu.wait_dma2 semaphore(%dma_wait3A_37 : memref<!tpu.dma_semaphore, #tpu.memory_space<semaphore_mem>>) src(%dma_wait3A_38 : memref<16384xf32, #tpu.memory_space<hbm>>) dst(%arg5 : memref<16384xf32, #tpu.memory_space<vmem>>)
    %parallel_loop3A_39 = arith.constant 0 : i32
    %parallel_loop3A_40 = arith.constant 512 : i32
    %parallel_loop3A_41 = arith.constant 1 : i32
    scf.for %parallel_loop3A_106 = %parallel_loop3A_39 to %parallel_loop3A_40 step %parallel_loop3A_41  : i32 {
      %parallel_loop3A_107 = arith.constant 3 : i32
      %parallel_loop3A_108 = arith.shrsi %parallel_loop3A_106, %parallel_loop3A_107 : i32
      %parallel_loop3A_109 = arith.constant 8 : i32
      %parallel_loop3A_110 = arith.shli %parallel_loop3A_108, %parallel_loop3A_109 : i32
      %parallel_loop3A_111 = arith.constant 7 : i32
      %parallel_loop3A_112 = arith.andi %parallel_loop3A_106, %parallel_loop3A_111 : i32
      %parallel_loop3A_113 = arith.constant 4 : i32
      %parallel_loop3A_114 = arith.shli %parallel_loop3A_112, %parallel_loop3A_113 : i32
      %parallel_loop3A_115 = arith.addi %parallel_loop3A_110, %parallel_loop3A_114 : i32
      %parallel_loop3A_116 = arith.index_cast %parallel_loop3A_115 : i32 to index
      %parallel_loop3A_117 = tpu.vector_load %arg5[%parallel_loop3A_116] {strides = array<i32>} : memref<16384xf32, #tpu.memory_space<vmem>>, vector<16xf32>,
      %parallel_loop3A_118 = vector.shape_cast %parallel_loop3A_117 : vector<16xf32> to vector<16xf32>
      %parallel_loop3A_119 = arith.constant 128 : i32
      %parallel_loop3A_120 = arith.addi %parallel_loop3A_115, %parallel_loop3A_119 : i32
      %parallel_loop3A_121 = arith.index_cast %parallel_loop3A_120 : i32 to index
      %parallel_loop3A_122 = tpu.vector_load %arg5[%parallel_loop3A_121] {strides = array<i32>} : memref<16384xf32, #tpu.memory_space<vmem>>, vector<16xf32>,
      %parallel_loop3A_123 = vector.shape_cast %parallel_loop3A_122 : vector<16xf32> to vector<16xf32>
      %parallel_loop3A_124 = arith.constant 1.73205078 : f32
      %parallel_loop3A_125 = vector.broadcast %parallel_loop3A_124 : f32 to vector<16xf32>
      %parallel_loop3A_126 = arith.divf %parallel_loop3A_123, %parallel_loop3A_125 : vector<16xf32>
      %parallel_loop3A_127 = arith.constant 0x4B400000 : f32
      %parallel_loop3A_128 = vector.broadcast %parallel_loop3A_127 : f32 to vector<16xf32>
      %parallel_loop3A_129 = arith.addf %parallel_loop3A_118, %parallel_loop3A_128 : vector<16xf32>
      %parallel_loop3A_130 = arith.constant 0x4B400000 : f32
      %parallel_loop3A_131 = vector.broadcast %parallel_loop3A_130 : f32 to vector<16xf32>
      %parallel_loop3A_132 = arith.subf %parallel_loop3A_129, %parallel_loop3A_131 : vector<16xf32>
      %parallel_loop3A_133 = arith.constant 0x4B400000 : f32
      %parallel_loop3A_134 = vector.broadcast %parallel_loop3A_133 : f32 to vector<16xf32>
      %parallel_loop3A_135 = arith.addf %parallel_loop3A_126, %parallel_loop3A_134 : vector<16xf32>
      %parallel_loop3A_136 = arith.constant 0x4B400000 : f32
      %parallel_loop3A_137 = vector.broadcast %parallel_loop3A_136 : f32 to vector<16xf32>
      %parallel_loop3A_138 = arith.subf %parallel_loop3A_135, %parallel_loop3A_137 : vector<16xf32>
      %parallel_loop3A_139 = arith.constant 5.000000e-01 : f32
      %parallel_loop3A_140 = vector.broadcast %parallel_loop3A_139 : f32 to vector<16xf32>
      %parallel_loop3A_141 = arith.subf %parallel_loop3A_118, %parallel_loop3A_140 : vector<16xf32>
      %parallel_loop3A_142 = arith.constant 0x4B400000 : f32
      %parallel_loop3A_143 = vector.broadcast %parallel_loop3A_142 : f32 to vector<16xf32>
      %parallel_loop3A_144 = arith.addf %parallel_loop3A_141, %parallel_loop3A_143 : vector<16xf32>
      %parallel_loop3A_145 = arith.constant 0x4B400000 : f32
      %parallel_loop3A_146 = vector.broadcast %parallel_loop3A_145 : f32 to vector<16xf32>
      %parallel_loop3A_147 = arith.subf %parallel_loop3A_144, %parallel_loop3A_146 : vector<16xf32>
      %parallel_loop3A_148 = arith.constant 5.000000e-01 : f32
      %parallel_loop3A_149 = vector.broadcast %parallel_loop3A_148 : f32 to vector<16xf32>
      %parallel_loop3A_150 = arith.addf %parallel_loop3A_147, %parallel_loop3A_149 : vector<16xf32>
      %parallel_loop3A_151 = arith.constant 5.000000e-01 : f32
      %parallel_loop3A_152 = vector.broadcast %parallel_loop3A_151 : f32 to vector<16xf32>
      %parallel_loop3A_153 = arith.subf %parallel_loop3A_126, %parallel_loop3A_152 : vector<16xf32>
      %parallel_loop3A_154 = arith.constant 0x4B400000 : f32
      %parallel_loop3A_155 = vector.broadcast %parallel_loop3A_154 : f32 to vector<16xf32>
      %parallel_loop3A_156 = arith.addf %parallel_loop3A_153, %parallel_loop3A_155 : vector<16xf32>
      %parallel_loop3A_157 = arith.constant 0x4B400000 : f32
      %parallel_loop3A_158 = vector.broadcast %parallel_loop3A_157 : f32 to vector<16xf32>
      %parallel_loop3A_159 = arith.subf %parallel_loop3A_156, %parallel_loop3A_158 : vector<16xf32>
      %parallel_loop3A_160 = arith.constant 5.000000e-01 : f32
      %parallel_loop3A_161 = vector.broadcast %parallel_loop3A_160 : f32 to vector<16xf32>
      %parallel_loop3A_162 = arith.addf %parallel_loop3A_159, %parallel_loop3A_161 : vector<16xf32>
      %parallel_loop3A_163 = arith.constant 1.73205078 : f32
      %parallel_loop3A_164 = vector.broadcast %parallel_loop3A_163 : f32 to vector<16xf32>
      %parallel_loop3A_165 = arith.mulf %parallel_loop3A_138, %parallel_loop3A_164 : vector<16xf32>
      %parallel_loop3A_166 = arith.constant 1.73205078 : f32
      %parallel_loop3A_167 = vector.broadcast %parallel_loop3A_166 : f32 to vector<16xf32>
      %parallel_loop3A_168 = arith.mulf %parallel_loop3A_162, %parallel_loop3A_167 : vector<16xf32>
      %parallel_loop3A_169 = arith.subf %parallel_loop3A_118, %parallel_loop3A_132 : vector<16xf32>
      %parallel_loop3A_170 = arith.subf %parallel_loop3A_123, %parallel_loop3A_165 : vector<16xf32>
      %parallel_loop3A_171 = arith.subf %parallel_loop3A_118, %parallel_loop3A_150 : vector<16xf32>
      %parallel_loop3A_172 = arith.subf %parallel_loop3A_123, %parallel_loop3A_168 : vector<16xf32>
      %parallel_loop3A_173 = arith.mulf %parallel_loop3A_169, %parallel_loop3A_169 : vector<16xf32>
      %parallel_loop3A_174 = arith.mulf %parallel_loop3A_170, %parallel_loop3A_170 : vector<16xf32>
      %parallel_loop3A_175 = arith.addf %parallel_loop3A_173, %parallel_loop3A_174 : vector<16xf32>
      %parallel_loop3A_176 = arith.mulf %parallel_loop3A_171, %parallel_loop3A_171 : vector<16xf32>
      %parallel_loop3A_177 = arith.mulf %parallel_loop3A_172, %parallel_loop3A_172 : vector<16xf32>
      %parallel_loop3A_178 = arith.addf %parallel_loop3A_176, %parallel_loop3A_177 : vector<16xf32>
      %parallel_loop3A_179 = arith.cmpf ole, %parallel_loop3A_175, %parallel_loop3A_178 : vector<16xf32>
      %parallel_loop3A_180 = arith.select %parallel_loop3A_179, %parallel_loop3A_132, %parallel_loop3A_150 : vector<16xi1>, vector<16xf32>
      %parallel_loop3A_181 = arith.index_cast %parallel_loop3A_115 : i32 to index
      %parallel_loop3A_182 = tpu.vector_load %arg7[%parallel_loop3A_181] {strides = array<i32>} : memref<16384xf32, #tpu.memory_space<vmem>>, vector<16xf32>,
      %parallel_loop3A_183 = vector.shape_cast %parallel_loop3A_182 : vector<16xf32> to vector<16xf32>
      %parallel_loop3A_184 = vector.shape_cast %parallel_loop3A_180 : vector<16xf32> to vector<16xf32>
      tpu.vector_store %arg7[%parallel_loop3A_181], %parallel_loop3A_184 {strides = array<i32>} : memref<16384xf32, #tpu.memory_space<vmem>>, vector<16xf32>,
      %parallel_loop3A_185 = arith.select %parallel_loop3A_179, %parallel_loop3A_165, %parallel_loop3A_168 : vector<16xi1>, vector<16xf32>
      %parallel_loop3A_186 = arith.constant 128 : i32
      %parallel_loop3A_187 = arith.addi %parallel_loop3A_115, %parallel_loop3A_186 : i32
      %parallel_loop3A_188 = arith.index_cast %parallel_loop3A_187 : i32 to index
      %parallel_loop3A_189 = tpu.vector_load %arg7[%parallel_loop3A_188] {strides = array<i32>} : memref<16384xf32, #tpu.memory_space<vmem>>, vector<16xf32>,
      %parallel_loop3A_190 = vector.shape_cast %parallel_loop3A_189 : vector<16xf32> to vector<16xf32>
      %parallel_loop3A_191 = vector.shape_cast %parallel_loop3A_185 : vector<16xf32> to vector<16xf32>
      tpu.vector_store %arg7[%parallel_loop3A_188], %parallel_loop3A_191 {strides = array<i32>} : memref<16384xf32, #tpu.memory_space<vmem>>, vector<16xf32>,
    } {sc.loop_unroll_factor = 4 : i64, sc.parallel_access}
    %add3A_42 = arith.constant 16384 : i32
    %add3A_43 = arith.addi %mul3A_2, %add3A_42 : i32
    %dma_start3A_44 = arith.constant 3 : i32
    %dma_start3A_45 = tpu.memref_slice %arg3[%add3A_43] : memref<2097152xf32, #tpu.memory_space<hbm>> -> memref<16384xf32, #tpu.memory_space<hbm>>
    %dma_start3A_46 = tpu.memref_slice %arg8[%dma_start3A_44] : memref<4x!tpu.dma_semaphore, #tpu.memory_space<semaphore_mem>> -> memref<1x!tpu.dma_semaphore, #tpu.memory_space<semaphore_mem>>
    %dma_start3A_47 = tpu.memref_squeeze %dma_start3A_46 : memref<1x!tpu.dma_semaphore, #tpu.memory_space<semaphore_mem>> -> memref<!tpu.dma_semaphore, #tpu.memory_space<semaphore_mem>>
    %dma_start3A_48 = tpu.memref_slice %arg3[%add3A_43] : memref<2097152xf32, #tpu.memory_space<hbm>> -> memref<16384xf32, #tpu.memory_space<hbm>>
    tpu.enqueue_dma source(%arg7 : memref<16384xf32, #tpu.memory_space<vmem>>) target(%dma_start3A_48 : memref<16384xf32, #tpu.memory_space<hbm>>) target_semaphore(%dma_start3A_47 : memref<!tpu.dma_semaphore, #tpu.memory_space<semaphore_mem>>)
    %add3A_49 = arith.constant 49152 : i32
    %add3A_50 = arith.addi %mul3A_2, %add3A_49 : i32
    %dma_start3A_51 = arith.constant 1 : i32
    %dma_start3A_52 = tpu.memref_slice %arg2[%add3A_50] : memref<2097152xf32, #tpu.memory_space<hbm>> -> memref<16384xf32, #tpu.memory_space<hbm>>
    %dma_start3A_53 = tpu.memref_slice %arg8[%dma_start3A_51] : memref<4x!tpu.dma_semaphore, #tpu.memory_space<semaphore_mem>> -> memref<1x!tpu.dma_semaphore, #tpu.memory_space<semaphore_mem>>
    %dma_start3A_54 = tpu.memref_squeeze %dma_start3A_53 : memref<1x!tpu.dma_semaphore, #tpu.memory_space<semaphore_mem>> -> memref<!tpu.dma_semaphore, #tpu.memory_space<semaphore_mem>>
    %dma_start3A_55 = tpu.memref_slice %arg2[%add3A_50] : memref<2097152xf32, #tpu.memory_space<hbm>> -> memref<16384xf32, #tpu.memory_space<hbm>>
    tpu.enqueue_dma source(%dma_start3A_55 : memref<16384xf32, #tpu.memory_space<hbm>>) target(%arg5 : memref<16384xf32, #tpu.memory_space<vmem>>) target_semaphore(%dma_start3A_54 : memref<!tpu.dma_semaphore, #tpu.memory_space<semaphore_mem>>)
    %dma_wait3A_56 = arith.constant 0 : i32
    %dma_wait3A_57 = tpu.memref_slice %arg2[%add3A_28] : memref<2097152xf32, #tpu.memory_space<hbm>> -> memref<16384xf32, #tpu.memory_space<hbm>>
    %dma_wait3A_58 = tpu.memref_slice %arg8[%dma_wait3A_56] : memref<4x!tpu.dma_semaphore, #tpu.memory_space<semaphore_mem>> -> memref<1x!tpu.dma_semaphore, #tpu.memory_space<semaphore_mem>>
    %dma_wait3A_59 = tpu.memref_squeeze %dma_wait3A_58 : memref<1x!tpu.dma_semaphore, #tpu.memory_space<semaphore_mem>> -> memref<!tpu.dma_semaphore, #tpu.memory_space<semaphore_mem>>
    %dma_wait3A_60 = tpu.memref_slice %arg2[%add3A_28] : memref<2097152xf32, #tpu.memory_space<hbm>> -> memref<16384xf32, #tpu.memory_space<hbm>>
    tpu.wait_dma2 semaphore(%dma_wait3A_59 : memref<!tpu.dma_semaphore, #tpu.memory_space<semaphore_mem>>) src(%dma_wait3A_60 : memref<16384xf32, #tpu.memory_space<hbm>>) dst(%arg4 : memref<16384xf32, #tpu.memory_space<vmem>>)
    %dma_wait3A_61 = arith.constant 2 : i32
    %dma_wait3A_62 = tpu.memref_slice %arg3[%add3A_21] : memref<2097152xf32, #tpu.memory_space<hbm>> -> memref<16384xf32, #tpu.memory_space<hbm>>
    %dma_wait3A_63 = tpu.memref_slice %arg8[%dma_wait3A_61] : memref<4x!tpu.dma_semaphore, #tpu.memory_space<semaphore_mem>> -> memref<1x!tpu.dma_semaphore, #tpu.memory_space<semaphore_mem>>
    %dma_wait3A_64 = tpu.memref_squeeze %dma_wait3A_63 : memref<1x!tpu.dma_semaphore, #tpu.memory_space<semaphore_mem>> -> memref<!tpu.dma_semaphore, #tpu.memory_space<semaphore_mem>>
    %dma_wait3A_65 = tpu.memref_slice %arg3[%add3A_21] : memref<2097152xf32, #tpu.memory_space<hbm>> -> memref<16384xf32, #tpu.memory_space<hbm>>
    tpu.wait_dma2 semaphore(%dma_wait3A_64 : memref<!tpu.dma_semaphore, #tpu.memory_space<semaphore_mem>>) src(%arg6 : memref<16384xf32, #tpu.memory_space<vmem>>) dst(%dma_wait3A_65 : memref<16384xf32, #tpu.memory_space<hbm>>)
    %parallel_loop3A_66 = arith.constant 0 : i32
    %parallel_loop3A_67 = arith.constant 512 : i32
    %parallel_loop3A_68 = arith.constant 1 : i32
    scf.for %parallel_loop3A_106 = %parallel_loop3A_66 to %parallel_loop3A_67 step %parallel_loop3A_68  : i32 {
      %parallel_loop3A_107 = arith.constant 3 : i32
      %parallel_loop3A_108 = arith.shrsi %parallel_loop3A_106, %parallel_loop3A_107 : i32
      %parallel_loop3A_109 = arith.constant 8 : i32
      %parallel_loop3A_110 = arith.shli %parallel_loop3A_108, %parallel_loop3A_109 : i32
      %parallel_loop3A_111 = arith.constant 7 : i32
      %parallel_loop3A_112 = arith.andi %parallel_loop3A_106, %parallel_loop3A_111 : i32
      %parallel_loop3A_113 = arith.constant 4 : i32
      %parallel_loop3A_114 = arith.shli %parallel_loop3A_112, %parallel_loop3A_113 : i32
      %parallel_loop3A_115 = arith.addi %parallel_loop3A_110, %parallel_loop3A_114 : i32
      %parallel_loop3A_116 = arith.index_cast %parallel_loop3A_115 : i32 to index
      %parallel_loop3A_117 = tpu.vector_load %arg4[%parallel_loop3A_116] {strides = array<i32>} : memref<16384xf32, #tpu.memory_space<vmem>>, vector<16xf32>,
      %parallel_loop3A_118 = vector.shape_cast %parallel_loop3A_117 : vector<16xf32> to vector<16xf32>
      %parallel_loop3A_119 = arith.constant 128 : i32
      %parallel_loop3A_120 = arith.addi %parallel_loop3A_115, %parallel_loop3A_119 : i32
      %parallel_loop3A_121 = arith.index_cast %parallel_loop3A_120 : i32 to index
      %parallel_loop3A_122 = tpu.vector_load %arg4[%parallel_loop3A_121] {strides = array<i32>} : memref<16384xf32, #tpu.memory_space<vmem>>, vector<16xf32>,
      %parallel_loop3A_123 = vector.shape_cast %parallel_loop3A_122 : vector<16xf32> to vector<16xf32>
      %parallel_loop3A_124 = arith.constant 1.73205078 : f32
      %parallel_loop3A_125 = vector.broadcast %parallel_loop3A_124 : f32 to vector<16xf32>
      %parallel_loop3A_126 = arith.divf %parallel_loop3A_123, %parallel_loop3A_125 : vector<16xf32>
      %parallel_loop3A_127 = arith.constant 0x4B400000 : f32
      %parallel_loop3A_128 = vector.broadcast %parallel_loop3A_127 : f32 to vector<16xf32>
      %parallel_loop3A_129 = arith.addf %parallel_loop3A_118, %parallel_loop3A_128 : vector<16xf32>
      %parallel_loop3A_130 = arith.constant 0x4B400000 : f32
      %parallel_loop3A_131 = vector.broadcast %parallel_loop3A_130 : f32 to vector<16xf32>
      %parallel_loop3A_132 = arith.subf %parallel_loop3A_129, %parallel_loop3A_131 : vector<16xf32>
      %parallel_loop3A_133 = arith.constant 0x4B400000 : f32
      %parallel_loop3A_134 = vector.broadcast %parallel_loop3A_133 : f32 to vector<16xf32>
      %parallel_loop3A_135 = arith.addf %parallel_loop3A_126, %parallel_loop3A_134 : vector<16xf32>
      %parallel_loop3A_136 = arith.constant 0x4B400000 : f32
      %parallel_loop3A_137 = vector.broadcast %parallel_loop3A_136 : f32 to vector<16xf32>
      %parallel_loop3A_138 = arith.subf %parallel_loop3A_135, %parallel_loop3A_137 : vector<16xf32>
      %parallel_loop3A_139 = arith.constant 5.000000e-01 : f32
      %parallel_loop3A_140 = vector.broadcast %parallel_loop3A_139 : f32 to vector<16xf32>
      %parallel_loop3A_141 = arith.subf %parallel_loop3A_118, %parallel_loop3A_140 : vector<16xf32>
      %parallel_loop3A_142 = arith.constant 0x4B400000 : f32
      %parallel_loop3A_143 = vector.broadcast %parallel_loop3A_142 : f32 to vector<16xf32>
      %parallel_loop3A_144 = arith.addf %parallel_loop3A_141, %parallel_loop3A_143 : vector<16xf32>
      %parallel_loop3A_145 = arith.constant 0x4B400000 : f32
      %parallel_loop3A_146 = vector.broadcast %parallel_loop3A_145 : f32 to vector<16xf32>
      %parallel_loop3A_147 = arith.subf %parallel_loop3A_144, %parallel_loop3A_146 : vector<16xf32>
      %parallel_loop3A_148 = arith.constant 5.000000e-01 : f32
      %parallel_loop3A_149 = vector.broadcast %parallel_loop3A_148 : f32 to vector<16xf32>
      %parallel_loop3A_150 = arith.addf %parallel_loop3A_147, %parallel_loop3A_149 : vector<16xf32>
      %parallel_loop3A_151 = arith.constant 5.000000e-01 : f32
      %parallel_loop3A_152 = vector.broadcast %parallel_loop3A_151 : f32 to vector<16xf32>
      %parallel_loop3A_153 = arith.subf %parallel_loop3A_126, %parallel_loop3A_152 : vector<16xf32>
      %parallel_loop3A_154 = arith.constant 0x4B400000 : f32
      %parallel_loop3A_155 = vector.broadcast %parallel_loop3A_154 : f32 to vector<16xf32>
      %parallel_loop3A_156 = arith.addf %parallel_loop3A_153, %parallel_loop3A_155 : vector<16xf32>
      %parallel_loop3A_157 = arith.constant 0x4B400000 : f32
      %parallel_loop3A_158 = vector.broadcast %parallel_loop3A_157 : f32 to vector<16xf32>
      %parallel_loop3A_159 = arith.subf %parallel_loop3A_156, %parallel_loop3A_158 : vector<16xf32>
      %parallel_loop3A_160 = arith.constant 5.000000e-01 : f32
      %parallel_loop3A_161 = vector.broadcast %parallel_loop3A_160 : f32 to vector<16xf32>
      %parallel_loop3A_162 = arith.addf %parallel_loop3A_159, %parallel_loop3A_161 : vector<16xf32>
      %parallel_loop3A_163 = arith.constant 1.73205078 : f32
      %parallel_loop3A_164 = vector.broadcast %parallel_loop3A_163 : f32 to vector<16xf32>
      %parallel_loop3A_165 = arith.mulf %parallel_loop3A_138, %parallel_loop3A_164 : vector<16xf32>
      %parallel_loop3A_166 = arith.constant 1.73205078 : f32
      %parallel_loop3A_167 = vector.broadcast %parallel_loop3A_166 : f32 to vector<16xf32>
      %parallel_loop3A_168 = arith.mulf %parallel_loop3A_162, %parallel_loop3A_167 : vector<16xf32>
      %parallel_loop3A_169 = arith.subf %parallel_loop3A_118, %parallel_loop3A_132 : vector<16xf32>
      %parallel_loop3A_170 = arith.subf %parallel_loop3A_123, %parallel_loop3A_165 : vector<16xf32>
      %parallel_loop3A_171 = arith.subf %parallel_loop3A_118, %parallel_loop3A_150 : vector<16xf32>
      %parallel_loop3A_172 = arith.subf %parallel_loop3A_123, %parallel_loop3A_168 : vector<16xf32>
      %parallel_loop3A_173 = arith.mulf %parallel_loop3A_169, %parallel_loop3A_169 : vector<16xf32>
      %parallel_loop3A_174 = arith.mulf %parallel_loop3A_170, %parallel_loop3A_170 : vector<16xf32>
      %parallel_loop3A_175 = arith.addf %parallel_loop3A_173, %parallel_loop3A_174 : vector<16xf32>
      %parallel_loop3A_176 = arith.mulf %parallel_loop3A_171, %parallel_loop3A_171 : vector<16xf32>
      %parallel_loop3A_177 = arith.mulf %parallel_loop3A_172, %parallel_loop3A_172 : vector<16xf32>
      %parallel_loop3A_178 = arith.addf %parallel_loop3A_176, %parallel_loop3A_177 : vector<16xf32>
      %parallel_loop3A_179 = arith.cmpf ole, %parallel_loop3A_175, %parallel_loop3A_178 : vector<16xf32>
      %parallel_loop3A_180 = arith.select %parallel_loop3A_179, %parallel_loop3A_132, %parallel_loop3A_150 : vector<16xi1>, vector<16xf32>
      %parallel_loop3A_181 = arith.index_cast %parallel_loop3A_115 : i32 to index
      %parallel_loop3A_182 = tpu.vector_load %arg6[%parallel_loop3A_181] {strides = array<i32>} : memref<16384xf32, #tpu.memory_space<vmem>>, vector<16xf32>,
      %parallel_loop3A_183 = vector.shape_cast %parallel_loop3A_182 : vector<16xf32> to vector<16xf32>
      %parallel_loop3A_184 = vector.shape_cast %parallel_loop3A_180 : vector<16xf32> to vector<16xf32>
      tpu.vector_store %arg6[%parallel_loop3A_181], %parallel_loop3A_184 {strides = array<i32>} : memref<16384xf32, #tpu.memory_space<vmem>>, vector<16xf32>,
      %parallel_loop3A_185 = arith.select %parallel_loop3A_179, %parallel_loop3A_165, %parallel_loop3A_168 : vector<16xi1>, vector<16xf32>
      %parallel_loop3A_186 = arith.constant 128 : i32
      %parallel_loop3A_187 = arith.addi %parallel_loop3A_115, %parallel_loop3A_186 : i32
      %parallel_loop3A_188 = arith.index_cast %parallel_loop3A_187 : i32 to index
      %parallel_loop3A_189 = tpu.vector_load %arg6[%parallel_loop3A_188] {strides = array<i32>} : memref<16384xf32, #tpu.memory_space<vmem>>, vector<16xf32>,
      %parallel_loop3A_190 = vector.shape_cast %parallel_loop3A_189 : vector<16xf32> to vector<16xf32>
      %parallel_loop3A_191 = vector.shape_cast %parallel_loop3A_185 : vector<16xf32> to vector<16xf32>
      tpu.vector_store %arg6[%parallel_loop3A_188], %parallel_loop3A_191 {strides = array<i32>} : memref<16384xf32, #tpu.memory_space<vmem>>, vector<16xf32>,
    } {sc.loop_unroll_factor = 4 : i64, sc.parallel_access}
    %add3A_69 = arith.constant 32768 : i32
    %add3A_70 = arith.addi %mul3A_2, %add3A_69 : i32
    %dma_start3A_71 = arith.constant 2 : i32
    %dma_start3A_72 = tpu.memref_slice %arg3[%add3A_70] : memref<2097152xf32, #tpu.memory_space<hbm>> -> memref<16384xf32, #tpu.memory_space<hbm>>
    %dma_start3A_73 = tpu.memref_slice %arg8[%dma_start3A_71] : memref<4x!tpu.dma_semaphore, #tpu.memory_space<semaphore_mem>> -> memref<1x!tpu.dma_semaphore, #tpu.memory_space<semaphore_mem>>
    %dma_start3A_74 = tpu.memref_squeeze %dma_start3A_73 : memref<1x!tpu.dma_semaphore, #tpu.memory_space<semaphore_mem>> -> memref<!tpu.dma_semaphore, #tpu.memory_space<semaphore_mem>>
    %dma_start3A_75 = tpu.memref_slice %arg3[%add3A_70] : memref<2097152xf32, #tpu.memory_space<hbm>> -> memref<16384xf32, #tpu.memory_space<hbm>>
    tpu.enqueue_dma source(%arg6 : memref<16384xf32, #tpu.memory_space<vmem>>) target(%dma_start3A_75 : memref<16384xf32, #tpu.memory_space<hbm>>) target_semaphore(%dma_start3A_74 : memref<!tpu.dma_semaphore, #tpu.memory_space<semaphore_mem>>)
    %dma_wait3A_76 = arith.constant 1 : i32
    %dma_wait3A_77 = tpu.memref_slice %arg2[%add3A_50] : memref<2097152xf32, #tpu.memory_space<hbm>> -> memref<16384xf32, #tpu.memory_space<hbm>>
    %dma_wait3A_78 = tpu.memref_slice %arg8[%dma_wait3A_76] : memref<4x!tpu.dma_semaphore, #tpu.memory_space<semaphore_mem>> -> memref<1x!tpu.dma_semaphore, #tpu.memory_space<semaphore_mem>>
    %dma_wait3A_79 = tpu.memref_squeeze %dma_wait3A_78 : memref<1x!tpu.dma_semaphore, #tpu.memory_space<semaphore_mem>> -> memref<!tpu.dma_semaphore, #tpu.memory_space<semaphore_mem>>
    %dma_wait3A_80 = tpu.memref_slice %arg2[%add3A_50] : memref<2097152xf32, #tpu.memory_space<hbm>> -> memref<16384xf32, #tpu.memory_space<hbm>>
    tpu.wait_dma2 semaphore(%dma_wait3A_79 : memref<!tpu.dma_semaphore, #tpu.memory_space<semaphore_mem>>) src(%dma_wait3A_80 : memref<16384xf32, #tpu.memory_space<hbm>>) dst(%arg5 : memref<16384xf32, #tpu.memory_space<vmem>>)
    %dma_wait3A_81 = arith.constant 3 : i32
    %dma_wait3A_82 = tpu.memref_slice %arg3[%add3A_43] : memref<2097152xf32, #tpu.memory_space<hbm>> -> memref<16384xf32, #tpu.memory_space<hbm>>
    %dma_wait3A_83 = tpu.memref_slice %arg8[%dma_wait3A_81] : memref<4x!tpu.dma_semaphore, #tpu.memory_space<semaphore_mem>> -> memref<1x!tpu.dma_semaphore, #tpu.memory_space<semaphore_mem>>
    %dma_wait3A_84 = tpu.memref_squeeze %dma_wait3A_83 : memref<1x!tpu.dma_semaphore, #tpu.memory_space<semaphore_mem>> -> memref<!tpu.dma_semaphore, #tpu.memory_space<semaphore_mem>>
    %dma_wait3A_85 = tpu.memref_slice %arg3[%add3A_43] : memref<2097152xf32, #tpu.memory_space<hbm>> -> memref<16384xf32, #tpu.memory_space<hbm>>
    tpu.wait_dma2 semaphore(%dma_wait3A_84 : memref<!tpu.dma_semaphore, #tpu.memory_space<semaphore_mem>>) src(%arg7 : memref<16384xf32, #tpu.memory_space<vmem>>) dst(%dma_wait3A_85 : memref<16384xf32, #tpu.memory_space<hbm>>)
    %parallel_loop3A_86 = arith.constant 0 : i32
    %parallel_loop3A_87 = arith.constant 512 : i32
    %parallel_loop3A_88 = arith.constant 1 : i32
    scf.for %parallel_loop3A_106 = %parallel_loop3A_86 to %parallel_loop3A_87 step %parallel_loop3A_88  : i32 {
      %parallel_loop3A_107 = arith.constant 3 : i32
      %parallel_loop3A_108 = arith.shrsi %parallel_loop3A_106, %parallel_loop3A_107 : i32
      %parallel_loop3A_109 = arith.constant 8 : i32
      %parallel_loop3A_110 = arith.shli %parallel_loop3A_108, %parallel_loop3A_109 : i32
      %parallel_loop3A_111 = arith.constant 7 : i32
      %parallel_loop3A_112 = arith.andi %parallel_loop3A_106, %parallel_loop3A_111 : i32
      %parallel_loop3A_113 = arith.constant 4 : i32
      %parallel_loop3A_114 = arith.shli %parallel_loop3A_112, %parallel_loop3A_113 : i32
      %parallel_loop3A_115 = arith.addi %parallel_loop3A_110, %parallel_loop3A_114 : i32
      %parallel_loop3A_116 = arith.index_cast %parallel_loop3A_115 : i32 to index
      %parallel_loop3A_117 = tpu.vector_load %arg5[%parallel_loop3A_116] {strides = array<i32>} : memref<16384xf32, #tpu.memory_space<vmem>>, vector<16xf32>,
      %parallel_loop3A_118 = vector.shape_cast %parallel_loop3A_117 : vector<16xf32> to vector<16xf32>
      %parallel_loop3A_119 = arith.constant 128 : i32
      %parallel_loop3A_120 = arith.addi %parallel_loop3A_115, %parallel_loop3A_119 : i32
      %parallel_loop3A_121 = arith.index_cast %parallel_loop3A_120 : i32 to index
      %parallel_loop3A_122 = tpu.vector_load %arg5[%parallel_loop3A_121] {strides = array<i32>} : memref<16384xf32, #tpu.memory_space<vmem>>, vector<16xf32>,
      %parallel_loop3A_123 = vector.shape_cast %parallel_loop3A_122 : vector<16xf32> to vector<16xf32>
      %parallel_loop3A_124 = arith.constant 1.73205078 : f32
      %parallel_loop3A_125 = vector.broadcast %parallel_loop3A_124 : f32 to vector<16xf32>
      %parallel_loop3A_126 = arith.divf %parallel_loop3A_123, %parallel_loop3A_125 : vector<16xf32>
      %parallel_loop3A_127 = arith.constant 0x4B400000 : f32
      %parallel_loop3A_128 = vector.broadcast %parallel_loop3A_127 : f32 to vector<16xf32>
      %parallel_loop3A_129 = arith.addf %parallel_loop3A_118, %parallel_loop3A_128 : vector<16xf32>
      %parallel_loop3A_130 = arith.constant 0x4B400000 : f32
      %parallel_loop3A_131 = vector.broadcast %parallel_loop3A_130 : f32 to vector<16xf32>
      %parallel_loop3A_132 = arith.subf %parallel_loop3A_129, %parallel_loop3A_131 : vector<16xf32>
      %parallel_loop3A_133 = arith.constant 0x4B400000 : f32
      %parallel_loop3A_134 = vector.broadcast %parallel_loop3A_133 : f32 to vector<16xf32>
      %parallel_loop3A_135 = arith.addf %parallel_loop3A_126, %parallel_loop3A_134 : vector<16xf32>
      %parallel_loop3A_136 = arith.constant 0x4B400000 : f32
      %parallel_loop3A_137 = vector.broadcast %parallel_loop3A_136 : f32 to vector<16xf32>
      %parallel_loop3A_138 = arith.subf %parallel_loop3A_135, %parallel_loop3A_137 : vector<16xf32>
      %parallel_loop3A_139 = arith.constant 5.000000e-01 : f32
      %parallel_loop3A_140 = vector.broadcast %parallel_loop3A_139 : f32 to vector<16xf32>
      %parallel_loop3A_141 = arith.subf %parallel_loop3A_118, %parallel_loop3A_140 : vector<16xf32>
      %parallel_loop3A_142 = arith.constant 0x4B400000 : f32
      %parallel_loop3A_143 = vector.broadcast %parallel_loop3A_142 : f32 to vector<16xf32>
      %parallel_loop3A_144 = arith.addf %parallel_loop3A_141, %parallel_loop3A_143 : vector<16xf32>
      %parallel_loop3A_145 = arith.constant 0x4B400000 : f32
      %parallel_loop3A_146 = vector.broadcast %parallel_loop3A_145 : f32 to vector<16xf32>
      %parallel_loop3A_147 = arith.subf %parallel_loop3A_144, %parallel_loop3A_146 : vector<16xf32>
      %parallel_loop3A_148 = arith.constant 5.000000e-01 : f32
      %parallel_loop3A_149 = vector.broadcast %parallel_loop3A_148 : f32 to vector<16xf32>
      %parallel_loop3A_150 = arith.addf %parallel_loop3A_147, %parallel_loop3A_149 : vector<16xf32>
      %parallel_loop3A_151 = arith.constant 5.000000e-01 : f32
      %parallel_loop3A_152 = vector.broadcast %parallel_loop3A_151 : f32 to vector<16xf32>
      %parallel_loop3A_153 = arith.subf %parallel_loop3A_126, %parallel_loop3A_152 : vector<16xf32>
      %parallel_loop3A_154 = arith.constant 0x4B400000 : f32
      %parallel_loop3A_155 = vector.broadcast %parallel_loop3A_154 : f32 to vector<16xf32>
      %parallel_loop3A_156 = arith.addf %parallel_loop3A_153, %parallel_loop3A_155 : vector<16xf32>
      %parallel_loop3A_157 = arith.constant 0x4B400000 : f32
      %parallel_loop3A_158 = vector.broadcast %parallel_loop3A_157 : f32 to vector<16xf32>
      %parallel_loop3A_159 = arith.subf %parallel_loop3A_156, %parallel_loop3A_158 : vector<16xf32>
      %parallel_loop3A_160 = arith.constant 5.000000e-01 : f32
      %parallel_loop3A_161 = vector.broadcast %parallel_loop3A_160 : f32 to vector<16xf32>
      %parallel_loop3A_162 = arith.addf %parallel_loop3A_159, %parallel_loop3A_161 : vector<16xf32>
      %parallel_loop3A_163 = arith.constant 1.73205078 : f32
      %parallel_loop3A_164 = vector.broadcast %parallel_loop3A_163 : f32 to vector<16xf32>
      %parallel_loop3A_165 = arith.mulf %parallel_loop3A_138, %parallel_loop3A_164 : vector<16xf32>
      %parallel_loop3A_166 = arith.constant 1.73205078 : f32
      %parallel_loop3A_167 = vector.broadcast %parallel_loop3A_166 : f32 to vector<16xf32>
      %parallel_loop3A_168 = arith.mulf %parallel_loop3A_162, %parallel_loop3A_167 : vector<16xf32>
      %parallel_loop3A_169 = arith.subf %parallel_loop3A_118, %parallel_loop3A_132 : vector<16xf32>
      %parallel_loop3A_170 = arith.subf %parallel_loop3A_123, %parallel_loop3A_165 : vector<16xf32>
      %parallel_loop3A_171 = arith.subf %parallel_loop3A_118, %parallel_loop3A_150 : vector<16xf32>
      %parallel_loop3A_172 = arith.subf %parallel_loop3A_123, %parallel_loop3A_168 : vector<16xf32>
      %parallel_loop3A_173 = arith.mulf %parallel_loop3A_169, %parallel_loop3A_169 : vector<16xf32>
      %parallel_loop3A_174 = arith.mulf %parallel_loop3A_170, %parallel_loop3A_170 : vector<16xf32>
      %parallel_loop3A_175 = arith.addf %parallel_loop3A_173, %parallel_loop3A_174 : vector<16xf32>
      %parallel_loop3A_176 = arith.mulf %parallel_loop3A_171, %parallel_loop3A_171 : vector<16xf32>
      %parallel_loop3A_177 = arith.mulf %parallel_loop3A_172, %parallel_loop3A_172 : vector<16xf32>
      %parallel_loop3A_178 = arith.addf %parallel_loop3A_176, %parallel_loop3A_177 : vector<16xf32>
      %parallel_loop3A_179 = arith.cmpf ole, %parallel_loop3A_175, %parallel_loop3A_178 : vector<16xf32>
      %parallel_loop3A_180 = arith.select %parallel_loop3A_179, %parallel_loop3A_132, %parallel_loop3A_150 : vector<16xi1>, vector<16xf32>
      %parallel_loop3A_181 = arith.index_cast %parallel_loop3A_115 : i32 to index
      %parallel_loop3A_182 = tpu.vector_load %arg7[%parallel_loop3A_181] {strides = array<i32>} : memref<16384xf32, #tpu.memory_space<vmem>>, vector<16xf32>,
      %parallel_loop3A_183 = vector.shape_cast %parallel_loop3A_182 : vector<16xf32> to vector<16xf32>
      %parallel_loop3A_184 = vector.shape_cast %parallel_loop3A_180 : vector<16xf32> to vector<16xf32>
      tpu.vector_store %arg7[%parallel_loop3A_181], %parallel_loop3A_184 {strides = array<i32>} : memref<16384xf32, #tpu.memory_space<vmem>>, vector<16xf32>,
      %parallel_loop3A_185 = arith.select %parallel_loop3A_179, %parallel_loop3A_165, %parallel_loop3A_168 : vector<16xi1>, vector<16xf32>
      %parallel_loop3A_186 = arith.constant 128 : i32
      %parallel_loop3A_187 = arith.addi %parallel_loop3A_115, %parallel_loop3A_186 : i32
      %parallel_loop3A_188 = arith.index_cast %parallel_loop3A_187 : i32 to index
      %parallel_loop3A_189 = tpu.vector_load %arg7[%parallel_loop3A_188] {strides = array<i32>} : memref<16384xf32, #tpu.memory_space<vmem>>, vector<16xf32>,
      %parallel_loop3A_190 = vector.shape_cast %parallel_loop3A_189 : vector<16xf32> to vector<16xf32>
      %parallel_loop3A_191 = vector.shape_cast %parallel_loop3A_185 : vector<16xf32> to vector<16xf32>
      tpu.vector_store %arg7[%parallel_loop3A_188], %parallel_loop3A_191 {strides = array<i32>} : memref<16384xf32, #tpu.memory_space<vmem>>, vector<16xf32>,
    } {sc.loop_unroll_factor = 4 : i64, sc.parallel_access}
    %add3A_89 = arith.constant 49152 : i32
    %add3A_90 = arith.addi %mul3A_2, %add3A_89 : i32
    %dma_start3A_91 = arith.constant 3 : i32
    %dma_start3A_92 = tpu.memref_slice %arg3[%add3A_90] : memref<2097152xf32, #tpu.memory_space<hbm>> -> memref<16384xf32, #tpu.memory_space<hbm>>
    %dma_start3A_93 = tpu.memref_slice %arg8[%dma_start3A_91] : memref<4x!tpu.dma_semaphore, #tpu.memory_space<semaphore_mem>> -> memref<1x!tpu.dma_semaphore, #tpu.memory_space<semaphore_mem>>
    %dma_start3A_94 = tpu.memref_squeeze %dma_start3A_93 : memref<1x!tpu.dma_semaphore, #tpu.memory_space<semaphore_mem>> -> memref<!tpu.dma_semaphore, #tpu.memory_space<semaphore_mem>>
    %dma_start3A_95 = tpu.memref_slice %arg3[%add3A_90] : memref<2097152xf32, #tpu.memory_space<hbm>> -> memref<16384xf32, #tpu.memory_space<hbm>>
    tpu.enqueue_dma source(%arg7 : memref<16384xf32, #tpu.memory_space<vmem>>) target(%dma_start3A_95 : memref<16384xf32, #tpu.memory_space<hbm>>) target_semaphore(%dma_start3A_94 : memref<!tpu.dma_semaphore, #tpu.memory_space<semaphore_mem>>)
    %dma_wait3A_96 = arith.constant 2 : i32
    %dma_wait3A_97 = tpu.memref_slice %arg3[%add3A_70] : memref<2097152xf32, #tpu.memory_space<hbm>> -> memref<16384xf32, #tpu.memory_space<hbm>>
    %dma_wait3A_98 = tpu.memref_slice %arg8[%dma_wait3A_96] : memref<4x!tpu.dma_semaphore, #tpu.memory_space<semaphore_mem>> -> memref<1x!tpu.dma_semaphore, #tpu.memory_space<semaphore_mem>>
    %dma_wait3A_99 = tpu.memref_squeeze %dma_wait3A_98 : memref<1x!tpu.dma_semaphore, #tpu.memory_space<semaphore_mem>> -> memref<!tpu.dma_semaphore, #tpu.memory_space<semaphore_mem>>
    %dma_wait3A_100 = tpu.memref_slice %arg3[%add3A_70] : memref<2097152xf32, #tpu.memory_space<hbm>> -> memref<16384xf32, #tpu.memory_space<hbm>>
    tpu.wait_dma2 semaphore(%dma_wait3A_99 : memref<!tpu.dma_semaphore, #tpu.memory_space<semaphore_mem>>) src(%arg6 : memref<16384xf32, #tpu.memory_space<vmem>>) dst(%dma_wait3A_100 : memref<16384xf32, #tpu.memory_space<hbm>>)
    %dma_wait3A_101 = arith.constant 3 : i32
    %dma_wait3A_102 = tpu.memref_slice %arg3[%add3A_90] : memref<2097152xf32, #tpu.memory_space<hbm>> -> memref<16384xf32, #tpu.memory_space<hbm>>
    %dma_wait3A_103 = tpu.memref_slice %arg8[%dma_wait3A_101] : memref<4x!tpu.dma_semaphore, #tpu.memory_space<semaphore_mem>> -> memref<1x!tpu.dma_semaphore, #tpu.memory_space<semaphore_mem>>
    %dma_wait3A_104 = tpu.memref_squeeze %dma_wait3A_103 : memref<1x!tpu.dma_semaphore, #tpu.memory_space<semaphore_mem>> -> memref<!tpu.dma_semaphore, #tpu.memory_space<semaphore_mem>>
    %dma_wait3A_105 = tpu.memref_slice %arg3[%add3A_90] : memref<2097152xf32, #tpu.memory_space<hbm>> -> memref<16384xf32, #tpu.memory_space<hbm>>
    tpu.wait_dma2 semaphore(%dma_wait3A_104 : memref<!tpu.dma_semaphore, #tpu.memory_space<semaphore_mem>>) src(%arg7 : memref<16384xf32, #tpu.memory_space<vmem>>) dst(%dma_wait3A_105 : memref<16384xf32, #tpu.memory_space<hbm>>)
    return
  }
}

</mosaic_0001>

<sc_bundles>
// kernel: kernel.3.cloned.1.call-start
scs
__scs_entry_jumppad:
0x0: {  	(pc) =	sbr.rel $0x88, $3  }
0x1: {  	(tag) =	ssettag $0x0;
	lr =	simm.s32 $0x1  }
0x2: {  	[smem:$0x3FA0] =	sst lr;
	_ =	strace $0xD0000000  }
0x3: {  	_ = 	snop  }
0x4: {  	_ = 	snop  }
0x5: {  	_ = 	snop  }
0x6: {  	_ = 	snop  }
0x7: {  	_ = 	snop  }
__scs_overlays_trampoline_lowered:
0x8: {  	[smem:$0x3FAF] =	sst s0  }
0x9: {  	[smem:$0x3FB0] =	sst s1  }
0xa: {  	[smem:$0x3FB1] =	sst s2  }
0xb: {  	[smem:$0x3FB2] =	sst s3  }
0xc: {  	[smem:$0x3FB3] =	sst s4  }
0xd: {  	[smem:$0x3FB4] =	sst s5  }
0xe: {  	[smem:$0x3FB5] =	sst s6  }
0xf: {  	[smem:$0x3FB6] =	sst s7  }
0x10: {  	[smem:$0x3FB7] =	sst s8  }
0x11: {  	[smem:$0x3FB8] =	sst s9;
	s0 =	simm.s32 @!p0 $0x0  }
0x12: {  	s1 =	sld [smem:$0x3F9E];
	s0 =	simm.s32 @p0 $0x1  }
0x13: {  	[smem:$0x3FB9] =	sst s0;
	s0 =	simm.s32 @!p1 $0x0  }
0x14: {  	s2 =	sld [smem:$0x3F9D];
	s0 =	simm.s32 @p1 $0x1  }
0x15: {  	[smem:$0x3FBA] =	sst s0;
	s0 =	simm.s32 @!p2 $0x0  }
0x16: {  	s3 =	sld [smem:$0x3FDB];
	s0 =	simm.s32 @p2 $0x1  }
0x17: {  	s4 =	simm.s32 $0x1BF5;
	[smem:$0x3FBC] =	sst s0  }
0x18: {  	s0 =	sld [smem:$0x3F9F];
	_ =	swait.ge [sflag:s4], $0x0  }
0x19: {  	s7 =	sld [smem:$0x3FA0]  }
0x1a: {  	s8 =	sadd.s32 $0xFFFFE003, lr  }
0x1b: {  	s9 =	sadd.s32 $0xFFFFFEF7, lr;
	s5 =	simm.s32 $0xFFFFFFFF;
	p2 =	slt.u32 s8, $0xFFFFF086  }
0x1c: {  	p1 =	slt.u32 s9, $0xF7A;
	s5 =	simm.s32 @!p2 $0x0  }
0x1d: {  	s5 =	simm.s32 @p1 $0x1;
	p0 =	seq.s32 s7, s2  }
0x1e: {  	s7 =	smul.u32 @!p0 $0xF7A, s2;
	p2 =	seq.s32 @!p0 s5, $0x0  }
0x1f: {  	s9 =	smul.u32 $0xF7A, s1;
	s8 =	simm.s32 @!p0 $0x1BF5;
	p2 =	por !p2, p0  }
0x20: {  	[sflag:s8] =	ssyncset.s32 @!p0 $0xFFFFF086;
	s6 =	sadd.s32 @!p0 s3, s7;
	s7 =	simm.s32 @!p0 $0x108  }
0x21: {  	s3 =	sadd.s32 s3, s9;
	s6 =	sadd.s32 @!p0 $0x88, s6;
	s7 =	simm.s32 @p2 $0x1082  }
0x22: {  	[simem:s7], [sflag:s8] =	dma.local @!p0 [hbm:s6], $0xF7A  }
0x23: {  	s9 =	sor.u32 $0xD0000000, s2;
	s6 =	simm.s32 $0x108;
	_ =	swait.ge @!p0 [sflag:s8], $0x0  }
0x24: {  	s3 =	sadd.s32 $0x88, s3;
	s6 =	simm.s32 @!p1 $0x1082;
	[sflag:s4] =	ssyncset.s32 $0xFFFFF086  }
0x25: {  	[simem:s6], [sflag:s4] =	dma.local [hbm:s3], $0xF7A  }
0x26: {  	[smem:$0x3FA0] =	sst s1;
	(tag) =	ssettag s2;
	_ =	strace s9  }
0x27: {  	s1 =	sld [smem:$0x3FB0]  }
0x28: {  	s2 =	sld [smem:$0x3FB1]  }
0x29: {  	s4 =	sld [smem:$0x3FB3]  }
0x2a: {  	p0 =	seq.s32 s5, $0x0;
	s5 =	sld [smem:$0x3FB4]  }
0x2b: {  	s6 =	sld [smem:$0x3FB5]  }
0x2c: {  	s7 =	sld [smem:$0x3FB6]  }
0x2d: {  	s3 =	simm.s32 $0x108;
	s8 =	sld [smem:$0x3FB7]  }
0x2e: {  	s3 =	simm.s32 @!p0 $0x1082;
	s9 =	sld [smem:$0x3FB8]  }
0x2f: {  	lr =	sadd.s32 s0, s3;
	s0 =	sld [smem:$0x3FAF]  }
0x30: {  	s3 =	sld [smem:$0x3FB2]  }
0x31: {  	[smem:$0x3FBB] =	sst s10  }
0x32: {  	s10 =	sld [smem:$0x3FB9];
	_ =	sdelay $0x3  }
0x33: {  	p0 =	seq.s32 s10, $0x1;
	s10 =	sld [smem:$0x3FBB];
	_ =	sdelay $0x3  }
0x34: {  	[smem:$0x3FBB] =	sst s10  }
0x35: {  	s10 =	sld [smem:$0x3FBA];
	_ =	sdelay $0x3  }
0x36: {  	p1 =	seq.s32 s10, $0x1;
	s10 =	sld [smem:$0x3FBB];
	_ =	sdelay $0x3  }
0x37: {  	[smem:$0x3FBB] =	sst s10  }
0x38: {  	s10 =	sld [smem:$0x3FBC]  }
0x39: {  	_ = 	snop;
	(pc) =	sbr.ind lr, $3  }
0x3a: {  	_ = 	snop  }
0x3b: {  	_ = 	snop  }
0x3c: {  	p2 =	seq.s32 s10, $0x1;
	s10 =	sld [smem:$0x3FBB]  }
0x3d: {  	_ =	shalt  }
0x3e: {  	_ =	shalt  }
0x3f: {  	_ =	shalt  }
0x40: {  	_ =	shalt  }
0x41: {  	_ =	shalt  }
0x42: {  	_ =	shalt  }
0x43: {  	_ =	shalt  }
0x44: {  	_ =	shalt  }
0x45: {  	_ =	shalt  }
0x46: {  	_ =	shalt  }
0x47: {  	_ =	shalt  }
0x48: {  	_ =	shalt  }
0x49: {  	_ =	shalt  }
0x4a: {  	_ =	shalt  }
0x4b: {  	_ =	shalt  }
0x4c: {  	_ =	shalt  }
0x4d: {  	_ =	shalt  }
0x4e: {  	_ =	shalt  }
0x4f: {  	_ =	shalt  }
0x50: {  	_ =	shalt  }
0x51: {  	_ =	shalt  }
0x52: {  	_ =	shalt  }
0x53: {  	_ =	shalt  }
0x54: {  	_ =	shalt  }
0x55: {  	_ =	shalt  }
0x56: {  	_ =	shalt  }
0x57: {  	_ =	shalt  }
0x58: {  	_ =	shalt  }
0x59: {  	_ =	shalt  }
0x5a: {  	_ =	shalt  }
0x5b: {  	_ =	shalt  }
0x5c: {  	_ =	shalt  }
0x5d: {  	_ =	shalt  }
0x5e: {  	_ =	shalt  }
0x5f: {  	_ =	shalt  }
0x60: {  	_ =	shalt  }
0x61: {  	_ =	shalt  }
0x62: {  	_ =	shalt  }
0x63: {  	_ =	shalt  }
0x64: {  	_ =	shalt  }
0x65: {  	_ =	shalt  }
0x66: {  	_ =	shalt  }
0x67: {  	_ =	shalt  }
0x68: {  	_ =	shalt  }
0x69: {  	_ =	shalt  }
0x6a: {  	_ =	shalt  }
0x6b: {  	_ =	shalt  }
0x6c: {  	_ =	shalt  }
0x6d: {  	_ =	shalt  }
0x6e: {  	_ =	shalt  }
0x6f: {  	_ =	shalt  }
0x70: {  	_ =	shalt  }
0x71: {  	_ =	shalt  }
0x72: {  	_ =	shalt  }
0x73: {  	_ =	shalt  }
0x74: {  	_ =	shalt  }
0x75: {  	_ =	shalt  }
0x76: {  	_ =	shalt  }
0x77: {  	_ =	shalt  }
0x78: {  	_ =	shalt  }
0x79: {  	_ =	shalt  }
0x7a: {  	_ =	shalt  }
0x7b: {  	_ =	shalt  }
0x7c: {  	_ =	shalt  }
0x7d: {  	_ =	shalt  }
0x7e: {  	_ =	shalt  }
0x7f: {  	_ =	shalt  }
0x80: {  	_ =	shalt  }
0x81: {  	_ =	shalt  }
0x82: {  	_ =	shalt  }
0x83: {  	_ =	shalt  }
0x84: {  	_ =	shalt  }
0x85: {  	_ =	shalt  }
0x86: {  	_ =	shalt  }
0x87: {  	_ =	shalt  }
.Lfunc_end0:
.L_simem_size_0:
called_computation_lowered:
.L_overlay_start_0:
0x88: {  	s2 =	sld [smem:$0x3FD9]  }
0x89: {  	s3 =	sld [smem:$0x3FFE];
	_ =	sdelay $0x1  }
0x8a: {  	s1 =	srdreg.scid  }
0x8b: {  	s0 =	sand.u32 $0x1, s1  }
0x8c: {  	s18 =	sshll.u32 s0, $0xA;
	s2 =	sadd.s32 s3, s2  }
0x8d: {  	s2 =	sadd.s32 s2, s18  }
0x8e: {  	[smem:$0x3FC7] =	sst s2  }
0x8f: {  	_ = 	snop  }
0x90: {  	s2 =	sld [smem:$0x3FC9]  }
0x91: {  	s19 =	sld [smem:$0x3FD0];
	(tm) =	ssettm $0x1  }
0x92: {  	s4 =	sld [smem:$0x3FFB];
	_ =	sdelay $0x3  }
0x93: {  	_ =	strace s4  }
0x94: {  	s4 =	sld [smem:$0x3FFC];
	_ =	sdelay $0x3  }
0x95: {  	_ =	strace s4  }
0x96: {  	s4 =	sld [smem:$0x3FFD];
	_ =	sdelay $0x3  }
0x97: {  	_ =	strace s4  }
0x98: {  	_ =	strace $0x8FFFFFFF  }
0x99: {  	s20 =	sld [smem:$0x3FDB];
	_ =	sdelay $0x1  }
0x9a: {  	s5 =	simm.s32 $_scs_section_size  }
0x9b: {  	s6 =	simm.s32 $_size__tile_overlayer_lowered;
	s7 =	simm.s32 $_tile_overlayer_lowered  }
0x9c: {  	s23 =	simm.s32 $0x1BFF;
	s22 =	sshll.u32 s7, $0x1;
	s4 =	sadd.s32 s5, s20  }
0x9d: {  	s8 =	simm.s32 $0x0;
	s21 =	sshll.u32 s6, $0x1;
	s6 =	sadd.s32 s22, s4  }
0x9e: {  	[timem:s8], [sflag:s23] =	dma.local [hbm:s6], s21  }
0x9f: {  	_ =	swait.ge [sflag:s23], s21  }
0xa0: {  	s5 =	ssub.s32 $0x0, s21;
	[sflag:s23] =	ssyncset.done $0x0  }
0xa1: {  	[sflag:s23] =	ssyncadd.s32 s5;
	_ =	sdelay $0x1  }
0xa2: {  	s24 =	simm.s32 $0x1B8B  }
0xa3: {  	_ =	swait.ge [sflag:s24], $0x1  }
0xa4: {  	[sflag:s24] =	ssyncset.done $0x0  }
0xa5: {  	s25 =	simm.s32 $0x1B8E;
	[sflag:s24] =	ssyncadd.s32 $0xFFFFFFFF  }
0xa6: {  	s26 =	simm.s32 $execute0_lowered;
	[smem:$0x3FD2] =	sst s25  }
0xa7: {  	s5 =	sshll.u32 s26, $0x1;
	_ =	strace $0x80000046;
	[dreg:$0x1] =	wrdreg $0xFFFFFFFF  }
0xa8: {  	s28 =	simm.s32 $_size_execute0_lowered;
	s4 =	sadd.s32 s4, s5;
	[dreg:$0x0] =	wrdreg $0x0  }
0xa9: {  	s5 =	sshll.u32 s28, $0x1;
	[dreg:$0x2] =	wrdreg s4  }
0xaa: {  	[dreg:$0x3] =	wrdreg s5  }
0xab: {  	[dreg:$0x4] =	wrdreg $0xC0  }
0xac: {  	_ =	task [dreg:s8], $0x5FFFF  }
0xad: {  	[dreg:$0x1] =	wrdreg $0xFFFFFFFF  }
0xae: {  	[dreg:$0x0] =	wrdreg $0x60  }
0xaf: {  	[dreg:$0x2] =	wrdreg s2  }
0xb0: {  	[dreg:$0x3] =	wrdreg s19  }
0xb1: {  	[dreg:$0x4] =	wrdreg $0x9  }
0xb2: {  	_ =	task.clear_ibuf [dreg:s8], $0x5FFFF;
	_ =	strace $0x90000046  }
0xb3: {  	s29 =	simm.s32 $0x9;
	_ =	strace $0x80000048  }
0xb4: {  	_ =	swait.ge [sflag:s29], $0x1  }
0xb5: {  	[sflag:s29] =	ssyncadd.s32 $0xFFFFFFFF  }
0xb6: {  	_ =	strace $0x90000048  }
0xb7: {  	_ =	sfence  }
0xb8: {  	s30 =	sld [smem:$0x0];
	_ =	sdelay $0x2  }
0xb9: {  	s31 =	sshll.u32 s1, $0xD;
	s1 =	sshrl.u32 s1, $0x2  }
0xba: {  	s3 =	sand.u32 $0x4000, s31;
	s1 =	sadd.s32 s1, s30  }
0xbb: {  	s0 =	sor.u32 s3, s0;
	s1 =	sshll.u32 s1, $0x11  }
0xbc: {  	s0 =	sor.u32 s1, s0  }
0xbd: {  	s0 =	sadd.s32 $0x8F2B, s0  }
0xbe: {  	[sflag:s0] =	ssyncadd.remote.s32 $0x1  }
0xbf: {  	_ =	sfence.sel $0xFFFF  }
0xc0: {  	[dreg:$0x0] =	wrdreg $0xFFFFFFFF;
	(pc) =	sbr.abs _section_cstart, $3  }
0xc1: {  	[dreg:$0x1] =	wrdreg $0xFFFFFFFF  }
0xc2: {  	_ =	task.clear_ibuf [dreg:s8], $0x2FFFF;
	_ =	strace $0x9FFFFFFF  }
0xc3: {  	(tm) =	ssettm $0x7FFFFFFF  }
tec
execute0_lowered:
.L_overlay_start_1:
0x0: {  	(tag) =	ssettag $0x1  }
0x1: {  	s0 =	rddreg [dreg:$0x0];
	s1 =	simm.s32 $0x0  }
0x2: {  	[smem:$0x7FF] =	sst s1  }
0x3: {  	s2 =	rddreg [dreg:$0x1];
	v0 =	vimm.f32 $1.732050780e+00;
	_ =	strace $0x80000047  }
0x4: {  	s3 =	srdreg.scid;
	s5 =	stileid.u32;
	(erf) = vrcp.f32 v0  }
0x5: {  	s13 =	simm.s32 $0x1;
	s15 =	simm.s32 $0x2;
	s3 =	sand.u32 $0x1, s3  }
0x6: {  	s17 =	simm.s32 $0x3;
	s18 =	simm.s32 $0x4;
	s4 =	ssub.s32 $0x2, s3  }
0x7: {  	s5 =	sshll.u32 s5, $0xD;
	s3 =	sshll.u32 s3, $0x11;
	s6 =	sshrl.u32 s4, $0x1  }
0x8: {  	s19 =	simm.s32 $0x0;
	s8 =	sor.u32 s5, s3;
	s11 =	ssub.s32 s4, s6  }
0x9: {  	s3 =	sadd.s32 s0, s8;
	s7 =	sor.u32 $0x800, s8;
	s31 =	sadd.s32 s2, s8  }
0xa: {  	s9 =	sor.u32 $0x1000, s8;
	s10 =	sor.u32 $0x1800, s8;
	[dreg:$0x3] =	wrdreg s3  }
0xb: {  	s30 =	sadd.s32 s0, s7;
	[dreg:$0x5] =	wrdreg s31;
	s6 =	sadd.s32 s0, s9  }
0xc: {  	s7 =	sadd.s32 s2, s7;
	s8 =	sadd.s32 s0, s10;
	s9 =	sadd.s32 s2, s9  }
0xd: {  	s10 =	sadd.s32 s2, s10;
	s11 =	smax.u32 s11, $0x1;
	[dreg:$0x4] =	wrdreg s30;
	v0 =	vpop (erf)  }
.LBB2_1:
0xe: {  	s0 =	rddreg [dreg:$0x3]  }
0xf: {  	s24 =	rddreg [dreg:$0x4]  }
0x10: {  	[tilespmem:s1], [sflag:$0x1] =	stream.linear.gather [hbm4b:s0+s1], $0x4000, $0x38;
	[tilespmem:$0x10000] =	vst v63  }
0x11: {  	s2 =	simm.s32 $0x4000;
	p0 =	por $0x0, $0x0;
	s0 =	simm.s32 $0x1  }
0x12: {  	[tilespmem:s2], [sflag:$0x2] =	stream.linear.gather [hbm4b:s24+s1], $0x4000, $0x38;
	[tilespmem:$0x10000] =	vst v63  }
0x13: {  	s25 =	sand.u32 $0x3F00, s1;
	s0 =	simm.s32 @!p0 $0x0;
	_ =	swait.ge [sflag:s13], $0x4000  }
0x14: {  	s12 =	sand.u32 $0x40, s1;
	s0 =	sshll.u32 s0, $0x6;
	[sflag:s13] =	ssyncset.done $0x0  }
0x15: {  	s21 =	sor.u32 s12, s25;
	s0 =	sadd.s32 $0x0, s0;
	[sflag:s13] =	ssyncadd.s32 $0xFFFFC000  }
0x16: {  	s26 =	sadd.s32 $0x30, s0;
	v9 =	vld [tilespmem:s21+$0x0]  }
0x17: {  	s20 =	sor.u32 $0x80, s26;
	v4 =	vld [tilespmem:s21+$0x10]  }
0x18: {  	s22 =	sor.u32 $0x80, s0;
	v18 =	vld [tilespmem:s20+$0x0]  }
0x19: {  	s4 =	simm.s32 $0x40;
	s3 =	sadd.s32 $0x10, s0;
	v39 =	vld [tilespmem:s22+$0x0]  }
0x1a: {  	s5 =	simm.s32 $0x80;
	s0 =	sadd.s32 $0x20, s0;
	s23 =	sor.u32 $0x80, s3;
	v25 =	vld [tilespmem:s21+$0x30]  }
0x1b: {  	s2 =	sand.u32 $0x3F00, s5;
	s24 =	sor.u32 $0x80, s0;
	s0 =	sand.u32 $0x40, s4;
	v23 =	vld [tilespmem:s23+$0x0]  }
0x1c: {  	v21 =	vld [tilespmem:s21+$0x20];
	s25 =	sor.u32 s0, s2  }
0x1d: {  	v19 =	vld [tilespmem:s25+$0x0]  }
0x1e: {  	v37 =	vld [tilespmem:s25+$0x10]  }
0x1f: {  	v1 =	vadd.f32 $-5.000000000e-01, v4  }
0x20: {  	v3 =	vadd.f32 $1.258291200e+07, v9;
	v7 =	vadd.f32 $-5.000000000e-01, v9  }
0x21: {  	v6 =	vmul.f32 v18, v0;
	v10 =	vadd.f32 $-5.000000000e-01, v25;
	v13 =	vadd.f32 $1.258291200e+07, v21  }
0x22: {  	v8 =	vmul.f32 v39, v0;
	v17 =	vadd.f32 $-5.000000000e-01, v21;
	v38 =	vadd.f32 $1.258291200e+07, v19  }
0x23: {  	v12 =	vmul.f32 v23, v0;
	v41 =	vadd.f32 $-5.000000000e-01, v19;
	v60 =	vadd.f32 $1.258291200e+07, v37  }
0x24: {  	v1 =	vadd.f32 $1.258291200e+07, v1;
	v2 =	vadd.f32 $-5.000000000e-01, v6  }
0x25: {  	v11 =	vadd.f32 $1.258291200e+07, v8;
	v15 =	vadd.f32 $1.258291200e+07, v12  }
0x26: {  	v7 =	vadd.f32 $1.258291200e+07, v7;
	v53 =	vadd.f32 $1.258291200e+07, v41  }
0x27: {  	v33 =	vld [tilespmem:s24+$0x0];
	v1 =	vadd.f32 $-1.258291200e+07, v1;
	v14 =	vadd.f32 $1.258291200e+07, v2  }
0x28: {  	v2 =	vadd.f32 $-1.258291200e+07, v13;
	v13 =	vadd.f32 $-5.000000000e-01, v8  }
0x29: {  	v8 =	vadd.f32 $1.258291200e+07, v4;
	v7 =	vadd.f32 $-1.258291200e+07, v7  }
0x2a: {  	v5 =	vadd.f32 $5.000000000e-01, v1;
	v1 =	vadd.f32 $-1.258291200e+07, v14  }
0x2b: {  	v24 =	vadd.f32 $-1.258291200e+07, v15;
	v15 =	vld [tilespmem:s25+$0x20];
	v8 =	vadd.f32 $-1.258291200e+07, v8  }
0x2c: {  	v16 =	vmul.f32 v33, v0;
	v35 =	vsub.f32 v21, v2;
	v14 =	vadd.f32 $5.000000000e-01, v1  }
0x2d: {  	v26 =	vmul.f32 $1.732050780e+00, v24;
	v1 =	vadd.f32 $-1.258291200e+07, v3;
	v20 =	vsub.f32 v4, v8  }
0x2e: {  	v28 =	vsub.f32 v4, v5;
	v4 =	vadd.f32 $1.258291200e+07, v10  }
0x2f: {  	v10 =	vadd.f32 $1.258291200e+07, v16;
	v46 =	vsub.f32 v23, v26  }
0x30: {  	v49 =	vadd.f32 $1.258291200e+07, v15;
	v41 =	vadd.f32 $-5.000000000e-01, v15  }
0x31: {  	v3 =	vmul.f32 $1.732050780e+00, v14;
	v22 =	vsub.f32 v9, v1;
	v14 =	vadd.f32 $-5.000000000e-01, v16  }
0x32: {  	v16 =	vadd.f32 $1.258291200e+07, v13;
	v13 =	vadd.f32 $1.258291200e+07, v6  }
0x33: {  	v29 =	vadd.f32 $-1.258291200e+07, v10;
	v10 =	vadd.f32 $-1.258291200e+07, v11  }
0x34: {  	v4 =	vadd.f32 $-1.258291200e+07, v4;
	v43 =	vmul.f32 v20, v20;
	v27 =	vsub.f32 v18, v3  }
0x35: {  	s12 =	simm.s32 $0x1;
	p0 =	por !p0, !p0;
	v57 =	vmul.f32 v46, v46;
	v14 =	vadd.f32 $1.258291200e+07, v14;
	v31 =	vadd.f32 $-1.258291200e+07, v13  }
0x36: {  	s12 =	simm.s32 @!p0 $0x0;
	v44 =	vadd.f32 $-1.258291200e+07, v16;
	v16 =	vadd.f32 $-5.000000000e-01, v37  }
0x37: {  	s12 =	sshll.u32 s12, $0x6;
	v57 =	vadd.f32 v57, v43;
	v6 =	vadd.f32 $-1.258291200e+07, v14  }
0x38: {  	s12 =	sadd.s32 $0x80, s12;
	v14 =	vadd.f32 $1.258291200e+07, v17;
	v20 =	vadd.f32 $1.258291200e+07, v16  }
0x39: {  	s0 =	sadd.s32 $0x20, s12;
	v44 =	vadd.f32 $5.000000000e-01, v44;
	v11 =	vadd.f32 $5.000000000e-01, v6  }
0x3a: {  	s30 =	sor.u32 $0x80, s0;
	v6 =	vadd.f32 $5.000000000e-01, v7;
	v7 =	vmul.f32 $1.732050780e+00, v10;
	v10 =	vadd.f32 $-5.000000000e-01, v12  }
0x3b: {  	v16 =	vld [tilespmem:s30+$0x0];
	v12 =	vadd.f32 $1.258291200e+07, v25;
	v32 =	vadd.f32 $-1.258291200e+07, v14  }
0x3c: {  	v20 =	vadd.f32 $-1.258291200e+07, v20;
	v30 =	vsub.f32 v39, v7  }
0x3d: {  	v10 =	vadd.f32 $1.258291200e+07, v10;
	v13 =	vmul.f32 $1.732050780e+00, v11;
	v11 =	vadd.f32 $5.000000000e-01, v4  }
0x3e: {  	v54 =	vmul.f32 v28, v28;
	v40 =	vsub.f32 v9, v6;
	v14 =	vadd.f32 $-1.258291200e+07, v12  }
0x3f: {  	s26 =	sor.u32 $0x80, s12;
	v24 =	vadd.f32 $5.000000000e-01, v32;
	v32 =	vmul.f32 v27, v27;
	v27 =	vmul.f32 v22, v22  }
0x40: {  	s16 =	sadd.s32 $0x30, s12;
	v4 =	vld [tilespmem:s26+$0x0];
	v22 =	vadd.f32 $-1.258291200e+07, v49;
	v55 =	vmul.f32 v16, v0;
	v17 =	vadd.f32 $-1.258291200e+07, v10  }
0x41: {  	s28 =	sor.u32 $0x80, s16;
	v9 =	vld [tilespmem:s25+$0x30];
	v34 =	vsub.f32 v33, v13;
	v36 =	vsub.f32 v25, v11;
	v28 =	vmul.f32 v30, v30  }
0x42: {  	v12 =	vld [tilespmem:s28+$0x0];
	v30 =	vadd.f32 $5.000000000e-01, v20;
	v20 =	vmul.f32 $1.732050780e+00, v31;
	v21 =	vsub.f32 v21, v24  }
0x43: {  	s14 =	sadd.s32 $0x10, s12;
	v46 =	vsub.f32 v25, v14;
	v42 =	vadd.f32 $5.000000000e-01, v17;
	v62 =	vmul.f32 v36, v36  }
0x44: {  	s29 =	sor.u32 $0x80, s14;
	v49 =	vmul.f32 v34, v34;
	v56 =	vsub.f32 v18, v20;
	v36 =	vadd.f32 $-1.258291200e+07, v60  }
0x45: {  	v10 =	vld [tilespmem:s29+$0x0];
	v58 =	vmul.f32 v21, v21;
	v21 =	vadd.f32 $-1.258291200e+07, v38;
	v38 =	vmul.f32 $1.732050780e+00, v29  }
0x46: {  	v17 =	vmul.f32 v4, v0;
	v45 =	vadd.f32 $-5.000000000e-01, v9;
	v34 =	vadd.f32 v32, v62  }
0x47: {  	v48 =	vmul.f32 v12, v0;
	v59 =	vsub.f32 v19, v21;
	v62 =	vadd.f32 $1.258291200e+07, v55  }
0x48: {  	v33 =	vsub.f32 v33, v38;
	v49 =	vadd.f32 v49, v58  }
0x49: {  	v42 =	vmul.f32 $1.732050780e+00, v42;
	v47 =	vadd.f32 $1.258291200e+07, v17;
	v52 =	vadd.f32 $-5.000000000e-01, v48  }
0x4a: {  	v51 =	vmul.f32 v10, v0;
	v31 =	vadd.f32 $-5.000000000e-01, v17;
	v17 =	vsub.f32 v15, v22  }
0x4b: {  	v45 =	vadd.f32 $1.258291200e+07, v45;
	v60 =	vsub.f32 v23, v42  }
0x4c: {  	v50 =	vadd.f32 $1.258291200e+07, v51;
	v61 =	vadd.f32 $1.258291200e+07, v52  }
0x4d: {  	v52 =	vsub.f32 v37, v36;
	v43 =	vadd.f32 $1.258291200e+07, v31  }
0x4e: {  	v32 =	vmul.f32 $1.732050780e+00, v44;
	v31 =	vadd.f32 $-1.258291200e+07, v62;
	v63 =	vadd.f32 $-1.258291200e+07, v61  }
0x4f: {  	v47 =	vadd.f32 $-1.258291200e+07, v47;
	v45 =	vadd.f32 $-1.258291200e+07, v45;
	v60 =	vmul.f32 v60, v60  }
0x50: {  	v44 =	vmul.f32 v59, v59;
	v18 =	vadd.f32 $5.000000000e-01, v63;
	v63 =	vadd.f32 $-5.000000000e-01, v55  }
0x51: {  	v23 =	vmul.f32 v52, v52;
	v61 =	vsub.f32 v37, v30;
	v54 =	vadd.f32 v60, v54  }
0x52: {  	v37 =	vmul.f32 v40, v40;
	v55 =	vadd.f32 $1.258291200e+07, v48;
	v52 =	vadd.f32 $1.258291200e+07, v63  }
0x53: {  	v48 =	vadd.f32 $-1.258291200e+07, v50;
	v50 =	vmul.f32 v56, v56;
	v18 =	vmul.f32 $1.732050780e+00, v18  }
0x54: {  	vm0 =	vle.f32 v57, v54;
	v63 =	vadd.f32 $-1.258291200e+07, v53;
	v40 =	vadd.f32 $-1.258291200e+07, v52  }
0x55: {  	v53 =	vmul.f32 v33, v33;
	v25 =	vsub.f32 v12, v18;
	v52 =	vmul.f32 v35, v35  }
0x56: {  	v33 =	vadd.f32 $5.000000000e-01, v63;
	v35 =	vmul.f32 $1.732050780e+00, v47;
	v40 =	vadd.f32 $5.000000000e-01, v40  }
0x57: {  	s31 =	simm.s32 $0x4;
	v47 =	vsub.f32 v39, v32;
	v39 =	vadd.f32 $-5.000000000e-01, v51;
	v29 =	vmul.f32 v25, v25  }
0x58: {  	p0 =	por !p0, !p0;
	s2 =	simm.s32 $0x100;
	s0 =	simm.s32 $0x80;
	v51 =	vadd.f32 $-1.258291200e+07, v55;
	v25 =	vmul.f32 v61, v61;
	v40 =	vmul.f32 $1.732050780e+00, v40  }
.LBB2_2:
0x59: {  	s12 =	simm.s32 $0x1  }
0x5a: {  	s14 =	sand.u32 $0x3F00, s2;
	s16 =	sand.u32 $0x40, s0;
	v54 =	vsub.f32 v4, v35;
	v52 =	vadd.f32 v53, v52;
	v46 =	vmul.f32 v46, v46;
	s12 =	simm.s32 @!p0 $0x0  }
0x5b: {  	s31 =	sadd.s32 $0x4, s31;
	v53 =	vadd.f32 $1.258291200e+07, v9;
	v55 =	vsel vm0, v8, v5;
	v5 =	vmovc v30;
	v8 =	vmovc v36;
	v39 =	vadd.f32 $1.258291200e+07, v39;
	s3 =	sshll.u32 s12, $0x6;
	s12 =	sor.u32 s16, s14  }
0x5c: {  	v36 =	vadd.f32 $1.258291200e+07, v41;
	v41 =	vadd.f32 v28, v27;
	v42 =	vsel vm0, v26, v42;
	v27 =	vmovc v44;
	p1 =	slt.u32 s31, $0x1FC;
	s3 =	sadd.s32 s3, s2;
	v30 =	vld [tilespmem:s12+$0x0]  }
0x5d: {  	v56 =	vadd.f32 $5.000000000e-01, v45;
	v28 =	vmul.f32 v54, v54;
	v54 =	vadd.f32 $-1.258291200e+07, v39;
	s14 =	sor.u32 $0x80, s3;
	v44 =	vld [tilespmem:s12+$0x10];
	s16 =	sadd.s32 $0x10, s3;
	s4 =	sadd.s32 $0x20, s3  }
0x5e: {  	v45 =	vsub.f32 v19, v33;
	v26 =	vmul.f32 $1.732050780e+00, v48;
	v36 =	vadd.f32 $-1.258291200e+07, v36;
	s3 =	sadd.s32 $0x30, s3;
	s5 =	sor.u32 $0x80, s16;
	v57 =	vld [tilespmem:s12+$0x20];
	s4 =	sor.u32 $0x80, s4  }
0x5f: {  	v48 =	vadd.f32 $-1.258291200e+07, v53;
	vm0 =	vle.f32 v52, v49;
	v46 =	vadd.f32 v50, v46;
	s16 =	sor.u32 $0x80, s3;
	v39 =	vld [tilespmem:s14+$0x0]  }
0x60: {  	v51 =	vmul.f32 $1.732050780e+00, v51;
	v50 =	vsub.f32 v16, v40;
	v52 =	vsub.f32 v9, v56;
	v49 =	vld [tilespmem:s12+$0x30]  }
0x61: {  	v43 =	vadd.f32 $-1.258291200e+07, v43;
	v59 =	vsel vm0, v2, v24;
	v2 =	vmovc v22;
	v53 =	vadd.f32 $1.258291200e+07, v30;
	v58 =	vld [tilespmem:s5+$0x0];
	v19 =	vmovc v30  }
0x62: {  	v52 =	vmul.f32 v52, v52;
	v30 =	vsel vm0, v38, v13;
	v13 =	vmovc v40;
	v22 =	vadd.f32 $-5.000000000e-01, v44;
	v60 =	vld [tilespmem:s16+$0x0];
	[tilespmem:s21+$0x8010] =	vst v55  }
0x63: {  	v47 =	vmul.f32 v47, v47;
	v54 =	vadd.f32 $5.000000000e-01, v54;
	v38 =	vadd.f32 $-5.000000000e-01, v19;
	v40 =	vld [tilespmem:s4+$0x0];
	[tilespmem:s23+$0x8000] =	vst v42;
	s23 =	smov.u32 s29;
	s29 =	smov.u32 s5  }
0x64: {  	v24 =	vadd.f32 $5.000000000e-01, v36;
	v42 =	vmul.f32 v39, v0;
	v22 =	vadd.f32 $1.258291200e+07, v22;
	[tilespmem:s21+$0x8020] =	vst v59  }
0x65: {  	v36 =	vsub.f32 v10, v26;
	vm0 =	vle.f32 v46, v34;
	v55 =	vadd.f32 $-5.000000000e-01, v49;
	[tilespmem:s24+$0x8000] =	vst v30;
	s24 =	smov.u32 s30;
	s30 =	smov.u32 s4  }
0x66: {  	v30 =	vadd.f32 v47, v37;
	v59 =	vadd.f32 $1.258291200e+07, v42;
	v61 =	vmul.f32 v58, v0  }
0x67: {  	v34 =	vsel vm0, v14, v11;
	v11 =	vmovc v56;
	v14 =	vmovc v48;
	v22 =	vadd.f32 $-1.258291200e+07, v22;
	v47 =	vmul.f32 v60, v0  }
0x68: {  	v37 =	vadd.f32 $1.258291200e+07, v57;
	v48 =	vadd.f32 $1.258291200e+07, v61;
	v56 =	vmul.f32 v40, v0;
	[tilespmem:s21+$0x8030] =	vst v34  }
0x69: {  	v50 =	vmul.f32 v50, v50;
	vm1 =	vle.f32 v41, v30;
	v34 =	vadd.f32 $-5.000000000e-01, v47  }
0x6a: {  	v30 =	vadd.f32 $5.000000000e-01, v22;
	v22 =	vadd.f32 $-1.258291200e+07, v37;
	v32 =	vsel vm1, v7, v32;
	v7 =	vmovc v35  }
0x6b: {  	v35 =	vadd.f32 $-5.000000000e-01, v42;
	v37 =	vsel vm1, v1, v6;
	v1 =	vmovc v21;
	v6 =	vmovc v33;
	v34 =	vadd.f32 $1.258291200e+07, v34  }
0x6c: {  	v33 =	vadd.f32 $1.258291200e+07, v38;
	v21 =	vsel vm0, v20, v3;
	v20 =	vmovc v51;
	v62 =	vsub.f32 v57, v22;
	[tilespmem:s21+$0x8000] =	vst v37;
	s21 =	smov.u32 s25;
	s25 =	smov.u32 s12  }
0x6d: {  	v3 =	vmovc v18;
	v37 =	vsub.f32 v15, v24;
	v15 =	vmov v57;
	v34 =	vadd.f32 $-1.258291200e+07, v34;
	[tilespmem:s22+$0x8000] =	vst v32;
	s22 =	smov.u32 s26;
	s26 =	smov.u32 s14  }
0x6e: {  	v18 =	vadd.f32 $1.258291200e+07, v44;
	v51 =	vmul.f32 v36, v36;
	v57 =	vsub.f32 v12, v20;
	v12 =	vmovc v60;
	[tilespmem:s20+$0x8000] =	vst v21;
	s20 =	smov.u32 s28;
	s28 =	smov.u32 s16  }
0x6f: {  	v42 =	vmul.f32 $1.732050780e+00, v54;
	v41 =	vadd.f32 $-5.000000000e-01, v15;
	v32 =	vadd.f32 $5.000000000e-01, v34  }
0x70: {  	v43 =	vadd.f32 $5.000000000e-01, v43;
	v36 =	vadd.f32 $-1.258291200e+07, v18;
	v54 =	vmul.f32 v37, v37  }
0x71: {  	v21 =	vadd.f32 $-1.258291200e+07, v53;
	v34 =	vadd.f32 v29, v52;
	v18 =	vmul.f32 $1.732050780e+00, v32  }
0x72: {  	v46 =	vsub.f32 v9, v14;
	v9 =	vmovc v49;
	v38 =	vmul.f32 $1.732050780e+00, v31;
	v29 =	vsub.f32 v44, v36  }
0x73: {  	v52 =	vsub.f32 v10, v42;
	v10 =	vmovc v58;
	v49 =	vsub.f32 v19, v21;
	v32 =	vmul.f32 $1.732050780e+00, v43  }
0x74: {  	v58 =	vadd.f32 v51, v23;
	v23 =	vmul.f32 v29, v29;
	v31 =	vsub.f32 v12, v18  }
0x75: {  	v37 =	vmul.f32 v45, v45;
	v44 =	vsub.f32 v44, v30;
	v51 =	vadd.f32 $1.258291200e+07, v55  }
0x76: {  	v45 =	vadd.f32 $1.258291200e+07, v56;
	v53 =	vadd.f32 $-5.000000000e-01, v56;
	v29 =	vmul.f32 v31, v31  }
0x77: {  	v56 =	vadd.f32 $1.258291200e+07, v47;
	v43 =	vadd.f32 $1.258291200e+07, v35;
	v55 =	vmul.f32 v44, v44  }
0x78: {  	v35 =	vadd.f32 $1.258291200e+07, v53;
	v31 =	vadd.f32 $-1.258291200e+07, v45  }
0x79: {  	v47 =	vmul.f32 v52, v52;
	v53 =	vsub.f32 v16, v38;
	v16 =	vmovc v40;
	v45 =	vadd.f32 $-1.258291200e+07, v59  }
0x7a: {  	v48 =	vadd.f32 $-1.258291200e+07, v48;
	v52 =	vmul.f32 v17, v17;
	v17 =	vmovc v62;
	v35 =	vadd.f32 $-1.258291200e+07, v35  }
.Ltmp0:
0x7b: {  	v33 =	vadd.f32 $-1.258291200e+07, v33;
	v44 =	vmul.f32 v49, v49;
	v53 =	vmul.f32 v53, v53;
	(pc) =	sbr.rel @p1 .LBB2_2-.Ltmp0, $4  }
0x7c: {  	v49 =	vadd.f32 v50, v54;
	v50 =	vmul.f32 v57, v57;
	v40 =	vadd.f32 $5.000000000e-01, v35  }
0x7d: {  	v33 =	vadd.f32 $5.000000000e-01, v33;
	v54 =	vadd.f32 v47, v25;
	v25 =	vmovc v55;
	v35 =	vmul.f32 $1.732050780e+00, v45  }
0x7e: {  	v47 =	vsub.f32 v4, v32;
	v4 =	vmovc v39;
	v40 =	vmul.f32 $1.732050780e+00, v40;
	v45 =	vadd.f32 $-1.258291200e+07, v51  }
0x7f: {  	s0 =	sadd.s32 $0x40, s0;
	p0 =	por !p0, !p0;
	s2 =	sadd.s32 $0x80, s2;
	v39 =	vadd.f32 $-5.000000000e-01, v61;
	vm0 =	vle.f32 v58, v54;
	v51 =	vadd.f32 $-1.258291200e+07, v56  }
0x80: {  	v54 =	vsub.f32 v4, v35;
	v52 =	vadd.f32 v53, v52;
	v46 =	vmul.f32 v46, v46  }
0x81: {  	v59 =	vadd.f32 $1.258291200e+07, v9;
	v5 =	vsel vm0, v8, v5;
	v8 =	vadd.f32 $1.258291200e+07, v41  }
0x82: {  	v27 =	vadd.f32 v28, v27;
	v26 =	vsel vm0, v26, v42;
	v60 =	vadd.f32 $5.000000000e-01, v45  }
0x83: {  	v19 =	vsub.f32 v19, v33;
	v61 =	vmul.f32 $1.732050780e+00, v48;
	v63 =	vsub.f32 v16, v40  }
0x84: {  	v47 =	vmul.f32 v47, v47;
	v43 =	vadd.f32 $-1.258291200e+07, v43;
	v39 =	vadd.f32 $1.258291200e+07, v39  }
0x85: {  	v53 =	vmul.f32 $1.732050780e+00, v51;
	v8 =	vadd.f32 $-1.258291200e+07, v8;
	v62 =	vadd.f32 $-1.258291200e+07, v59  }
0x86: {  	vm0 =	vle.f32 v52, v49;
	v46 =	vadd.f32 v50, v46;
	v52 =	vsub.f32 v9, v60  }
0x87: {  	v28 =	vmul.f32 v54, v54;
	v37 =	vadd.f32 v47, v37;
	v39 =	vadd.f32 $-1.258291200e+07, v39  }
0x88: {  	v55 =	vsub.f32 v10, v61;
	v2 =	vsel vm0, v2, v24;
	v13 =	vsel vm0, v38, v13  }
0x89: {  	v12 =	vsub.f32 v12, v53;
	v24 =	vmul.f32 v52, v52;
	v54 =	vadd.f32 $5.000000000e-01, v39  }
0x8a: {  	v8 =	vadd.f32 $5.000000000e-01, v8;
	vm0 =	vle.f32 v46, v34;
	vm1 =	vle.f32 v27, v37  }
0x8b: {  	[tilespmem:s21+$0x8010] =	vst v5;
	v5 =	vmul.f32 v55, v55;
	v9 =	vsub.f32 v9, v62;
	v27 =	vmul.f32 $1.732050780e+00, v54  }
0x8c: {  	v11 =	vsel vm0, v14, v11;
	v14 =	vmul.f32 v63, v63;
	v1 =	vsel vm1, v1, v6  }
0x8d: {  	v6 =	vsub.f32 v15, v8;
	v15 =	vmul.f32 $1.732050780e+00, v31;
	v10 =	vsub.f32 v10, v27  }
0x8e: {  	[tilespmem:s21+$0x8020] =	vst v2;
	v7 =	vsel vm1, v7, v32;
	v3 =	vsel vm0, v20, v3;
	v20 =	vadd.f32 $5.000000000e-01, v43  }
0x8f: {  	[tilespmem:s24+$0x8000] =	vst v13;
	v2 =	vadd.f32 v29, v24;
	v16 =	vsub.f32 v16, v15;
	v10 =	vmul.f32 v10, v10  }
0x90: {  	v5 =	vadd.f32 v5, v23;
	[tilespmem:s21+$0x8030] =	vst v11;
	v13 =	vmul.f32 $1.732050780e+00, v20;
	v6 =	vmul.f32 v6, v6  }
0x91: {  	v11 =	vmul.f32 v17, v17;
	[tilespmem:s21+$0x8000] =	vst v1;
	v16 =	vmul.f32 v16, v16;
	v10 =	vadd.f32 v10, v25  }
0x92: {  	[tilespmem:s22+$0x8000] =	vst v7;
	v7 =	vmul.f32 v9, v9;
	v4 =	vsub.f32 v4, v13;
	v1 =	vadd.f32 v14, v6  }
0x93: {  	[tilespmem:s23+$0x8000] =	vst v26;
	v6 =	vmul.f32 v12, v12;
	vm0 =	vle.f32 v5, v10;
	v5 =	vadd.f32 v16, v11  }
0x94: {  	[tilespmem:s20+$0x8000] =	vst v3;
	v3 =	vmul.f32 v19, v19;
	v4 =	vmul.f32 v4, v4;
	v9 =	vsel vm0, v36, v30  }
0x95: {  	v10 =	vsel vm0, v61, v27;
	vm0 =	vle.f32 v5, v1;
	v1 =	vadd.f32 v6, v7;
	[tilespmem:s25+$0x8010] =	vst v9  }
0x96: {  	v3 =	vadd.f32 v4, v3;
	v5 =	vadd.f32 v28, v44;
	v6 =	vsel vm0, v22, v8;
	[tilespmem:s29+$0x8000] =	vst v10  }
0x97: {  	v4 =	vsel vm0, v15, v40;
	[tilespmem:s25+$0x8020] =	vst v6;
	vm0 =	vle.f32 v1, v2  }
0x98: {  	vm1 =	vle.f32 v5, v3;
	[tilespmem:s30+$0x8000] =	vst v4;
	v1 =	vsel vm0, v62, v60  }
0x99: {  	[tilespmem:s25+$0x8030] =	vst v1;
	v1 =	vsel vm1, v21, v33  }
0x9a: {  	v2 =	vsel vm1, v35, v13;
	[tilespmem:s25+$0x8000] =	vst v1  }
0x9b: {  	v1 =	vsel vm0, v53, v18;
	[tilespmem:s26+$0x8000] =	vst v2  }
0x9c: {  	[tilespmem:s28+$0x8000] =	vst v1  }
0x9d: {  	s0 =	simm.s32 $0x0;
	s3 =	simm.s32 $0x8000;
	s2 =	rddreg [dreg:$0x5]  }
0x9e: {  	[hbm4b:s2+s0] =	stream.linear.scatter [tilespmem:s3], [sflag:$0x3], $0x4000, $0x38;
	[tilespmem:$0x10000] =	vst v63  }
0x9f: {  	p0 =	por $0x0, $0x0;
	s2 =	simm.s32 $0x1  }
0xa0: {  	[tilespmem:s0], [sflag:$0x1] =	stream.linear.gather [hbm4b:s6+s0], $0x4000, $0x38;
	[tilespmem:$0x10000] =	vst v63  }
0xa1: {  	s25 =	sand.u32 $0x3F00, s0;
	s2 =	simm.s32 @!p0 $0x0;
	_ =	swait.ge [sflag:s15], $0x4000  }
0xa2: {  	s0 =	sand.u32 $0x40, s0;
	s2 =	sshll.u32 s2, $0x6;
	[sflag:s15] =	ssyncset.done $0x0  }
0xa3: {  	s21 =	sor.u32 s0, s25;
	s26 =	sadd.s32 $0x0, s2;
	[sflag:s15] =	ssyncadd.s32 $0xFFFFC000  }
0xa4: {  	s2 =	sadd.s32 $0x30, s26;
	v9 =	vld [tilespmem:s21+$0x4000]  }
0xa5: {  	s20 =	sor.u32 $0x80, s2;
	v4 =	vld [tilespmem:s21+$0x4010]  }
0xa6: {  	s22 =	sor.u32 $0x80, s26;
	v18 =	vld [tilespmem:s20+$0x4000]  }
0xa7: {  	s4 =	simm.s32 $0x40;
	s5 =	simm.s32 $0x80;
	s0 =	sadd.s32 $0x20, s26;
	v39 =	vld [tilespmem:s22+$0x4000]  }
0xa8: {  	s24 =	sor.u32 $0x80, s0;
	s2 =	sand.u32 $0x3F00, s5;
	s0 =	sand.u32 $0x40, s4;
	v25 =	vld [tilespmem:s21+$0x4030]  }
0xa9: {  	s3 =	sadd.s32 $0x10, s26;
	v21 =	vld [tilespmem:s21+$0x4020];
	s25 =	sor.u32 s0, s2  }
0xaa: {  	s23 =	sor.u32 $0x80, s3;
	v19 =	vld [tilespmem:s25+$0x4000]  }
0xab: {  	v23 =	vld [tilespmem:s23+$0x4000]  }
0xac: {  	v1 =	vadd.f32 $-5.000000000e-01, v4  }
0xad: {  	v3 =	vadd.f32 $1.258291200e+07, v9;
	v7 =	vadd.f32 $-5.000000000e-01, v9  }
0xae: {  	v6 =	vmul.f32 v18, v0;
	v10 =	vadd.f32 $-5.000000000e-01, v25;
	v13 =	vadd.f32 $1.258291200e+07, v21  }
0xaf: {  	v8 =	vmul.f32 v39, v0;
	v17 =	vadd.f32 $-5.000000000e-01, v21;
	v38 =	vadd.f32 $1.258291200e+07, v19  }
0xb0: {  	v12 =	vmul.f32 v23, v0;
	v58 =	vadd.f32 $-5.000000000e-01, v19;
	v1 =	vadd.f32 $1.258291200e+07, v1  }
0xb1: {  	v2 =	vadd.f32 $-5.000000000e-01, v6;
	v11 =	vadd.f32 $1.258291200e+07, v8  }
0xb2: {  	v15 =	vadd.f32 $1.258291200e+07, v12;
	v7 =	vadd.f32 $1.258291200e+07, v7  }
0xb3: {  	v53 =	vadd.f32 $1.258291200e+07, v58;
	v1 =	vadd.f32 $-1.258291200e+07, v1  }
0xb4: {  	v33 =	vld [tilespmem:s24+$0x4000];
	v14 =	vadd.f32 $1.258291200e+07, v2;
	v2 =	vadd.f32 $-1.258291200e+07, v13  }
0xb5: {  	v13 =	vadd.f32 $-5.000000000e-01, v8;
	v8 =	vadd.f32 $1.258291200e+07, v4  }
0xb6: {  	v7 =	vadd.f32 $-1.258291200e+07, v7;
	v24 =	vadd.f32 $-1.258291200e+07, v15  }
0xb7: {  	v15 =	vld [tilespmem:s25+$0x4020];
	v5 =	vadd.f32 $5.000000000e-01, v1;
	v1 =	vadd.f32 $-1.258291200e+07, v14  }
0xb8: {  	v8 =	vadd.f32 $-1.258291200e+07, v8;
	v35 =	vsub.f32 v21, v2  }
0xb9: {  	v16 =	vmul.f32 v33, v0;
	v14 =	vadd.f32 $5.000000000e-01, v1;
	v1 =	vadd.f32 $-1.258291200e+07, v3  }
0xba: {  	v26 =	vmul.f32 $1.732050780e+00, v24;
	v20 =	vsub.f32 v4, v8;
	v28 =	vsub.f32 v4, v5  }
0xbb: {  	v4 =	vadd.f32 $1.258291200e+07, v10;
	v10 =	vadd.f32 $1.258291200e+07, v16  }
0xbc: {  	v46 =	vsub.f32 v23, v26;
	v59 =	vadd.f32 $1.258291200e+07, v15  }
0xbd: {  	v37 =	vld [tilespmem:s25+$0x4010];
	v41 =	vadd.f32 $-5.000000000e-01, v15;
	v22 =	vsub.f32 v9, v1  }
0xbe: {  	v3 =	vmul.f32 $1.732050780e+00, v14;
	v14 =	vadd.f32 $-5.000000000e-01, v16;
	v16 =	vadd.f32 $1.258291200e+07, v13  }
0xbf: {  	v13 =	vadd.f32 $1.258291200e+07, v6;
	v29 =	vadd.f32 $-1.258291200e+07, v10  }
0xc0: {  	v10 =	vadd.f32 $-1.258291200e+07, v11;
	v4 =	vadd.f32 $-1.258291200e+07, v4  }
0xc1: {  	v27 =	vsub.f32 v18, v3;
	v14 =	vadd.f32 $1.258291200e+07, v14  }
0xc2: {  	p0 =	por !p0, !p0;
	s3 =	simm.s32 $0x1;
	v44 =	vadd.f32 $-1.258291200e+07, v16;
	v16 =	vadd.f32 $-5.000000000e-01, v37  }
0xc3: {  	s3 =	simm.s32 @!p0 $0x0;
	v31 =	vadd.f32 $-1.258291200e+07, v13;
	v6 =	vadd.f32 $-1.258291200e+07, v14  }
0xc4: {  	s3 =	sshll.u32 s3, $0x6;
	v43 =	vmul.f32 v20, v20;
	v14 =	vadd.f32 $1.258291200e+07, v17;
	v20 =	vadd.f32 $1.258291200e+07, v16  }
0xc5: {  	s12 =	sadd.s32 $0x80, s3;
	v32 =	vmul.f32 v27, v27;
	v27 =	vmul.f32 v22, v22;
	v22 =	vadd.f32 $-1.258291200e+07, v59  }
0xc6: {  	s0 =	sadd.s32 $0x20, s12;
	v44 =	vadd.f32 $5.000000000e-01, v44;
	v11 =	vadd.f32 $5.000000000e-01, v6  }
0xc7: {  	s30 =	sor.u32 $0x80, s0;
	v6 =	vadd.f32 $5.000000000e-01, v7;
	v7 =	vmul.f32 $1.732050780e+00, v10;
	v10 =	vadd.f32 $-5.000000000e-01, v12  }
0xc8: {  	v16 =	vld [tilespmem:s30+$0x4000];
	v12 =	vadd.f32 $1.258291200e+07, v25;
	v56 =	vadd.f32 $-1.258291200e+07, v14  }
0xc9: {  	v20 =	vadd.f32 $-1.258291200e+07, v20;
	v30 =	vsub.f32 v39, v7  }
0xca: {  	v10 =	vadd.f32 $1.258291200e+07, v10;
	v13 =	vmul.f32 $1.732050780e+00, v11;
	v11 =	vadd.f32 $5.000000000e-01, v4  }
0xcb: {  	v40 =	vsub.f32 v9, v6;
	v14 =	vadd.f32 $-1.258291200e+07, v12  }
0xcc: {  	v54 =	vmul.f32 v28, v28;
	v24 =	vadd.f32 $5.000000000e-01, v56;
	v17 =	vadd.f32 $-1.258291200e+07, v10  }
0xcd: {  	s26 =	sor.u32 $0x80, s12;
	s16 =	sadd.s32 $0x30, s12;
	v9 =	vld [tilespmem:s25+$0x4030];
	v55 =	vmul.f32 v16, v0;
	v34 =	vsub.f32 v33, v13;
	v57 =	vsub.f32 v25, v11  }
0xce: {  	s28 =	sor.u32 $0x80, s16;
	v4 =	vld [tilespmem:s26+$0x4000];
	v28 =	vmul.f32 v30, v30;
	v30 =	vadd.f32 $5.000000000e-01, v20;
	v20 =	vmul.f32 $1.732050780e+00, v31  }
0xcf: {  	s14 =	sadd.s32 $0x10, s12;
	v12 =	vld [tilespmem:s28+$0x4000];
	v21 =	vsub.f32 v21, v24;
	v42 =	vadd.f32 $5.000000000e-01, v17;
	v62 =	vmul.f32 v57, v57  }
0xd0: {  	s29 =	sor.u32 $0x80, s14;
	v49 =	vmul.f32 v34, v34;
	v56 =	vsub.f32 v18, v20;
	v57 =	vmul.f32 v46, v46  }
0xd1: {  	v10 =	vld [tilespmem:s29+$0x4000];
	v58 =	vmul.f32 v21, v21;
	v21 =	vadd.f32 $-1.258291200e+07, v38;
	v46 =	vsub.f32 v25, v14  }
0xd2: {  	v38 =	vmul.f32 $1.732050780e+00, v29;
	v45 =	vadd.f32 $-5.000000000e-01, v9;
	v34 =	vadd.f32 v32, v62  }
0xd3: {  	v17 =	vmul.f32 v4, v0;
	v59 =	vsub.f32 v19, v21;
	v57 =	vadd.f32 v57, v43  }
0xd4: {  	v48 =	vmul.f32 v12, v0;
	v62 =	vadd.f32 $1.258291200e+07, v55;
	v33 =	vsub.f32 v33, v38  }
0xd5: {  	v49 =	vadd.f32 v49, v58;
	v47 =	vadd.f32 $1.258291200e+07, v17  }
0xd6: {  	v51 =	vmul.f32 v10, v0;
	v60 =	vadd.f32 $-5.000000000e-01, v48;
	v31 =	vadd.f32 $-5.000000000e-01, v17  }
0xd7: {  	v17 =	vsub.f32 v15, v22;
	v45 =	vadd.f32 $1.258291200e+07, v45  }
0xd8: {  	v50 =	vadd.f32 $1.258291200e+07, v51;
	v61 =	vadd.f32 $1.258291200e+07, v60  }
0xd9: {  	v60 =	vadd.f32 $1.258291200e+07, v37;
	v43 =	vadd.f32 $1.258291200e+07, v31  }
0xda: {  	v42 =	vmul.f32 $1.732050780e+00, v42;
	v31 =	vadd.f32 $-1.258291200e+07, v62;
	v47 =	vadd.f32 $-1.258291200e+07, v47  }
0xdb: {  	v45 =	vadd.f32 $-1.258291200e+07, v45;
	v63 =	vadd.f32 $-1.258291200e+07, v61  }
0xdc: {  	v36 =	vadd.f32 $-1.258291200e+07, v60;
	v60 =	vsub.f32 v23, v42  }
0xdd: {  	v32 =	vmul.f32 $1.732050780e+00, v44;
	v61 =	vsub.f32 v37, v30;
	v18 =	vadd.f32 $5.000000000e-01, v63  }
0xde: {  	v44 =	vmul.f32 v59, v59;
	v52 =	vsub.f32 v37, v36;
	v63 =	vadd.f32 $-5.000000000e-01, v55  }
0xdf: {  	v37 =	vmul.f32 v40, v40;
	v55 =	vadd.f32 $1.258291200e+07, v48;
	v60 =	vmul.f32 v60, v60  }
0xe0: {  	v48 =	vadd.f32 $-1.258291200e+07, v50;
	v23 =	vmul.f32 v52, v52;
	v52 =	vadd.f32 $1.258291200e+07, v63  }
0xe1: {  	v50 =	vmul.f32 v56, v56;
	v18 =	vmul.f32 $1.732050780e+00, v18;
	v63 =	vadd.f32 $-1.258291200e+07, v53  }
0xe2: {  	v53 =	vmul.f32 v33, v33;
	v54 =	vadd.f32 v60, v54;
	v40 =	vadd.f32 $-1.258291200e+07, v52  }
0xe3: {  	v25 =	vsub.f32 v12, v18;
	v52 =	vmul.f32 v35, v35;
	v33 =	vadd.f32 $5.000000000e-01, v63  }
0xe4: {  	v35 =	vmul.f32 $1.732050780e+00, v47;
	v47 =	vsub.f32 v39, v32;
	v40 =	vadd.f32 $5.000000000e-01, v40  }
0xe5: {  	s31 =	simm.s32 $0x4;
	v39 =	vadd.f32 $-5.000000000e-01, v51;
	v51 =	vadd.f32 $-1.258291200e+07, v55;
	v29 =	vmul.f32 v25, v25  }
0xe6: {  	s2 =	simm.s32 $0x100;
	p0 =	por !p0, !p0;
	s0 =	simm.s32 $0x80;
	vm0 =	vle.f32 v57, v54;
	v25 =	vmul.f32 v61, v61;
	v40 =	vmul.f32 $1.732050780e+00, v40  }
.LBB2_4:
0xe7: {  	s3 =	simm.s32 $0x1  }
0xe8: {  	s4 =	sand.u32 $0x3F00, s2;
	s5 =	sand.u32 $0x40, s0;
	v54 =	vsub.f32 v4, v35;
	v52 =	vadd.f32 v53, v52;
	v46 =	vmul.f32 v46, v46;
	s3 =	simm.s32 @!p0 $0x0  }
0xe9: {  	s31 =	sadd.s32 $0x4, s31;
	v53 =	vadd.f32 $1.258291200e+07, v9;
	v55 =	vsel vm0, v8, v5;
	v5 =	vmovc v30;
	v8 =	vmovc v36;
	s12 =	sor.u32 s5, s4;
	v39 =	vadd.f32 $1.258291200e+07, v39;
	s3 =	sshll.u32 s3, $0x6  }
0xea: {  	v36 =	vadd.f32 $1.258291200e+07, v41;
	v41 =	vadd.f32 v28, v27;
	v42 =	vsel vm0, v26, v42;
	v27 =	vmovc v44;
	p1 =	slt.u32 s31, $0x1FC;
	s3 =	sadd.s32 s3, s2;
	v30 =	vld [tilespmem:s12+$0x4000]  }
0xeb: {  	v56 =	vadd.f32 $5.000000000e-01, v45;
	v28 =	vmul.f32 v54, v54;
	v54 =	vadd.f32 $-1.258291200e+07, v39;
	s14 =	sor.u32 $0x80, s3;
	v44 =	vld [tilespmem:s12+$0x4010];
	s4 =	sadd.s32 $0x10, s3;
	s5 =	sadd.s32 $0x20, s3  }
0xec: {  	v45 =	vsub.f32 v19, v33;
	v26 =	vmul.f32 $1.732050780e+00, v48;
	v36 =	vadd.f32 $-1.258291200e+07, v36;
	s3 =	sadd.s32 $0x30, s3;
	s4 =	sor.u32 $0x80, s4;
	v57 =	vld [tilespmem:s12+$0x4020];
	s5 =	sor.u32 $0x80, s5  }
0xed: {  	v48 =	vadd.f32 $-1.258291200e+07, v53;
	vm0 =	vle.f32 v52, v49;
	v46 =	vadd.f32 v50, v46;
	s16 =	sor.u32 $0x80, s3;
	v39 =	vld [tilespmem:s14+$0x4000]  }
0xee: {  	v51 =	vmul.f32 $1.732050780e+00, v51;
	v50 =	vsub.f32 v16, v40;
	v52 =	vsub.f32 v9, v56;
	v49 =	vld [tilespmem:s12+$0x4030]  }
0xef: {  	v43 =	vadd.f32 $-1.258291200e+07, v43;
	v59 =	vsel vm0, v2, v24;
	v2 =	vmovc v22;
	v53 =	vadd.f32 $1.258291200e+07, v30;
	v58 =	vld [tilespmem:s4+$0x4000];
	v19 =	vmovc v30  }
0xf0: {  	v52 =	vmul.f32 v52, v52;
	v30 =	vsel vm0, v38, v13;
	v13 =	vmovc v40;
	v22 =	vadd.f32 $-5.000000000e-01, v44;
	v60 =	vld [tilespmem:s16+$0x4000];
	[tilespmem:s21+$0xC010] =	vst v55  }
0xf1: {  	v47 =	vmul.f32 v47, v47;
	v54 =	vadd.f32 $5.000000000e-01, v54;
	v38 =	vadd.f32 $-5.000000000e-01, v19;
	v40 =	vld [tilespmem:s5+$0x4000];
	[tilespmem:s23+$0xC000] =	vst v42;
	s23 =	smov.u32 s29;
	s29 =	smov.u32 s4  }
0xf2: {  	v24 =	vadd.f32 $5.000000000e-01, v36;
	v42 =	vmul.f32 v39, v0;
	v22 =	vadd.f32 $1.258291200e+07, v22;
	[tilespmem:s21+$0xC020] =	vst v59  }
0xf3: {  	v36 =	vsub.f32 v10, v26;
	vm0 =	vle.f32 v46, v34;
	v55 =	vadd.f32 $-5.000000000e-01, v49;
	[tilespmem:s24+$0xC000] =	vst v30;
	s24 =	smov.u32 s30;
	s30 =	smov.u32 s5  }
0xf4: {  	v30 =	vadd.f32 v47, v37;
	v59 =	vadd.f32 $1.258291200e+07, v42;
	v61 =	vmul.f32 v58, v0  }
0xf5: {  	v34 =	vsel vm0, v14, v11;
	v11 =	vmovc v56;
	v14 =	vmovc v48;
	v22 =	vadd.f32 $-1.258291200e+07, v22;
	v47 =	vmul.f32 v60, v0  }
0xf6: {  	v37 =	vadd.f32 $1.258291200e+07, v57;
	v48 =	vadd.f32 $1.258291200e+07, v61;
	v56 =	vmul.f32 v40, v0;
	[tilespmem:s21+$0xC030] =	vst v34  }
0xf7: {  	v50 =	vmul.f32 v50, v50;
	vm1 =	vle.f32 v41, v30;
	v34 =	vadd.f32 $-5.000000000e-01, v47  }
0xf8: {  	v30 =	vadd.f32 $5.000000000e-01, v22;
	v22 =	vadd.f32 $-1.258291200e+07, v37;
	v32 =	vsel vm1, v7, v32;
	v7 =	vmovc v35  }
0xf9: {  	v35 =	vadd.f32 $-5.000000000e-01, v42;
	v37 =	vsel vm1, v1, v6;
	v1 =	vmovc v21;
	v6 =	vmovc v33;
	v34 =	vadd.f32 $1.258291200e+07, v34  }
0xfa: {  	v33 =	vadd.f32 $1.258291200e+07, v38;
	v21 =	vsel vm0, v20, v3;
	v20 =	vmovc v51;
	v62 =	vsub.f32 v57, v22;
	[tilespmem:s21+$0xC000] =	vst v37;
	s21 =	smov.u32 s25;
	s25 =	smov.u32 s12  }
0xfb: {  	v3 =	vmovc v18;
	v37 =	vsub.f32 v15, v24;
	v15 =	vmov v57;
	v34 =	vadd.f32 $-1.258291200e+07, v34;
	[tilespmem:s22+$0xC000] =	vst v32;
	s22 =	smov.u32 s26;
	s26 =	smov.u32 s14  }
0xfc: {  	v18 =	vadd.f32 $1.258291200e+07, v44;
	v51 =	vmul.f32 v36, v36;
	v57 =	vsub.f32 v12, v20;
	v12 =	vmovc v60;
	[tilespmem:s20+$0xC000] =	vst v21;
	s20 =	smov.u32 s28;
	s28 =	smov.u32 s16  }
0xfd: {  	v42 =	vmul.f32 $1.732050780e+00, v54;
	v41 =	vadd.f32 $-5.000000000e-01, v15;
	v32 =	vadd.f32 $5.000000000e-01, v34  }
0xfe: {  	v43 =	vadd.f32 $5.000000000e-01, v43;
	v36 =	vadd.f32 $-1.258291200e+07, v18;
	v54 =	vmul.f32 v37, v37  }
0xff: {  	v21 =	vadd.f32 $-1.258291200e+07, v53;
	v34 =	vadd.f32 v29, v52;
	v18 =	vmul.f32 $1.732050780e+00, v32  }
0x100: {  	v46 =	vsub.f32 v9, v14;
	v9 =	vmovc v49;
	v38 =	vmul.f32 $1.732050780e+00, v31;
	v29 =	vsub.f32 v44, v36  }
0x101: {  	v52 =	vsub.f32 v10, v42;
	v10 =	vmovc v58;
	v49 =	vsub.f32 v19, v21;
	v32 =	vmul.f32 $1.732050780e+00, v43  }
0x102: {  	v58 =	vadd.f32 v51, v23;
	v23 =	vmul.f32 v29, v29;
	v31 =	vsub.f32 v12, v18  }
0x103: {  	v37 =	vmul.f32 v45, v45;
	v44 =	vsub.f32 v44, v30;
	v51 =	vadd.f32 $1.258291200e+07, v55  }
0x104: {  	v45 =	vadd.f32 $1.258291200e+07, v56;
	v53 =	vadd.f32 $-5.000000000e-01, v56;
	v29 =	vmul.f32 v31, v31  }
0x105: {  	v56 =	vadd.f32 $1.258291200e+07, v47;
	v43 =	vadd.f32 $1.258291200e+07, v35;
	v55 =	vmul.f32 v44, v44  }
0x106: {  	v35 =	vadd.f32 $1.258291200e+07, v53;
	v31 =	vadd.f32 $-1.258291200e+07, v45  }
0x107: {  	v47 =	vmul.f32 v52, v52;
	v53 =	vsub.f32 v16, v38;
	v16 =	vmovc v40;
	v45 =	vadd.f32 $-1.258291200e+07, v59  }
0x108: {  	v48 =	vadd.f32 $-1.258291200e+07, v48;
	v52 =	vmul.f32 v17, v17;
	v17 =	vmovc v62;
	v35 =	vadd.f32 $-1.258291200e+07, v35  }
.Ltmp1:
0x109: {  	v33 =	vadd.f32 $-1.258291200e+07, v33;
	v44 =	vmul.f32 v49, v49;
	v53 =	vmul.f32 v53, v53;
	(pc) =	sbr.rel @p1 .LBB2_4-.Ltmp1, $4  }
0x10a: {  	v49 =	vadd.f32 v50, v54;
	v50 =	vmul.f32 v57, v57;
	v40 =	vadd.f32 $5.000000000e-01, v35  }
0x10b: {  	v33 =	vadd.f32 $5.000000000e-01, v33;
	v54 =	vadd.f32 v47, v25;
	v25 =	vmovc v55;
	v35 =	vmul.f32 $1.732050780e+00, v45  }
0x10c: {  	v47 =	vsub.f32 v4, v32;
	v4 =	vmovc v39;
	v40 =	vmul.f32 $1.732050780e+00, v40;
	v45 =	vadd.f32 $-1.258291200e+07, v51  }
0x10d: {  	s0 =	sadd.s32 $0x40, s0;
	p0 =	por !p0, !p0;
	s2 =	sadd.s32 $0x80, s2;
	v39 =	vadd.f32 $-5.000000000e-01, v61;
	vm0 =	vle.f32 v58, v54;
	v51 =	vadd.f32 $-1.258291200e+07, v56  }
0x10e: {  	v54 =	vsub.f32 v4, v35;
	v52 =	vadd.f32 v53, v52;
	v46 =	vmul.f32 v46, v46  }
0x10f: {  	v59 =	vadd.f32 $1.258291200e+07, v9;
	v5 =	vsel vm0, v8, v5;
	v8 =	vadd.f32 $1.258291200e+07, v41  }
0x110: {  	v27 =	vadd.f32 v28, v27;
	v26 =	vsel vm0, v26, v42;
	v60 =	vadd.f32 $5.000000000e-01, v45  }
0x111: {  	v19 =	vsub.f32 v19, v33;
	v61 =	vmul.f32 $1.732050780e+00, v48;
	v63 =	vsub.f32 v16, v40  }
0x112: {  	v47 =	vmul.f32 v47, v47;
	v43 =	vadd.f32 $-1.258291200e+07, v43;
	v39 =	vadd.f32 $1.258291200e+07, v39  }
0x113: {  	v53 =	vmul.f32 $1.732050780e+00, v51;
	v8 =	vadd.f32 $-1.258291200e+07, v8;
	v62 =	vadd.f32 $-1.258291200e+07, v59  }
0x114: {  	vm0 =	vle.f32 v52, v49;
	v46 =	vadd.f32 v50, v46;
	v52 =	vsub.f32 v9, v60  }
0x115: {  	v28 =	vmul.f32 v54, v54;
	v37 =	vadd.f32 v47, v37;
	v39 =	vadd.f32 $-1.258291200e+07, v39  }
0x116: {  	v55 =	vsub.f32 v10, v61;
	v2 =	vsel vm0, v2, v24;
	v13 =	vsel vm0, v38, v13  }
0x117: {  	v12 =	vsub.f32 v12, v53;
	v24 =	vmul.f32 v52, v52;
	v54 =	vadd.f32 $5.000000000e-01, v39  }
0x118: {  	v8 =	vadd.f32 $5.000000000e-01, v8;
	vm0 =	vle.f32 v46, v34;
	vm1 =	vle.f32 v27, v37  }
0x119: {  	[tilespmem:s21+$0xC010] =	vst v5;
	v5 =	vmul.f32 v55, v55;
	v9 =	vsub.f32 v9, v62;
	v27 =	vmul.f32 $1.732050780e+00, v54  }
0x11a: {  	v11 =	vsel vm0, v14, v11;
	v14 =	vmul.f32 v63, v63;
	v1 =	vsel vm1, v1, v6  }
0x11b: {  	v6 =	vsub.f32 v15, v8;
	v15 =	vmul.f32 $1.732050780e+00, v31;
	v10 =	vsub.f32 v10, v27  }
0x11c: {  	[tilespmem:s21+$0xC020] =	vst v2;
	v7 =	vsel vm1, v7, v32;
	v3 =	vsel vm0, v20, v3;
	v20 =	vadd.f32 $5.000000000e-01, v43  }
0x11d: {  	[tilespmem:s24+$0xC000] =	vst v13;
	v2 =	vadd.f32 v29, v24;
	v16 =	vsub.f32 v16, v15;
	v10 =	vmul.f32 v10, v10  }
0x11e: {  	v5 =	vadd.f32 v5, v23;
	[tilespmem:s21+$0xC030] =	vst v11;
	v13 =	vmul.f32 $1.732050780e+00, v20;
	v6 =	vmul.f32 v6, v6  }
0x11f: {  	v11 =	vmul.f32 v17, v17;
	[tilespmem:s21+$0xC000] =	vst v1;
	v16 =	vmul.f32 v16, v16;
	v10 =	vadd.f32 v10, v25  }
0x120: {  	[tilespmem:s22+$0xC000] =	vst v7;
	v7 =	vmul.f32 v9, v9;
	v4 =	vsub.f32 v4, v13;
	v1 =	vadd.f32 v14, v6  }
0x121: {  	[tilespmem:s23+$0xC000] =	vst v26;
	v6 =	vmul.f32 v12, v12;
	vm0 =	vle.f32 v5, v10;
	v5 =	vadd.f32 v16, v11  }
0x122: {  	[tilespmem:s20+$0xC000] =	vst v3;
	v3 =	vmul.f32 v19, v19;
	v4 =	vmul.f32 v4, v4;
	v9 =	vsel vm0, v36, v30  }
0x123: {  	v10 =	vsel vm0, v61, v27;
	vm0 =	vle.f32 v5, v1;
	v1 =	vadd.f32 v6, v7;
	[tilespmem:s25+$0xC010] =	vst v9  }
0x124: {  	v3 =	vadd.f32 v4, v3;
	v5 =	vadd.f32 v28, v44;
	v6 =	vsel vm0, v22, v8;
	[tilespmem:s29+$0xC000] =	vst v10  }
0x125: {  	v4 =	vsel vm0, v15, v40;
	[tilespmem:s25+$0xC020] =	vst v6;
	vm0 =	vle.f32 v1, v2  }
0x126: {  	vm1 =	vle.f32 v5, v3;
	[tilespmem:s30+$0xC000] =	vst v4;
	v1 =	vsel vm0, v62, v60  }
0x127: {  	[tilespmem:s25+$0xC030] =	vst v1;
	v1 =	vsel vm1, v21, v33  }
0x128: {  	v2 =	vsel vm1, v35, v13;
	[tilespmem:s25+$0xC000] =	vst v1  }
0x129: {  	v1 =	vsel vm0, v53, v18;
	[tilespmem:s26+$0xC000] =	vst v2  }
0x12a: {  	s0 =	simm.s32 $0x0;
	s2 =	simm.s32 $0xC000;
	[tilespmem:s28+$0xC000] =	vst v1  }
0x12b: {  	[hbm4b:s7+s0] =	stream.linear.scatter [tilespmem:s2], [sflag:$0x4], $0x4000, $0x38;
	[tilespmem:$0x10000] =	vst v63  }
0x12c: {  	s25 =	simm.s32 $0x4000  }
0x12d: {  	[tilespmem:s25], [sflag:$0x2] =	stream.linear.gather [hbm4b:s8+s0], $0x4000, $0x38;
	[tilespmem:$0x10000] =	vst v63  }
0x12e: {  	_ =	swait.ge [sflag:s13], $0x4000  }
0x12f: {  	[sflag:s13] =	ssyncset.done $0x0  }
0x130: {  	p0 =	por $0x0, $0x0;
	s2 =	simm.s32 $0x1;
	[sflag:s13] =	ssyncadd.s32 $0xFFFFC000  }
0x131: {  	s3 =	sand.u32 $0x3F00, s0;
	s2 =	simm.s32 @!p0 $0x0;
	_ =	swait.ge [sflag:s17], $0x4000  }
0x132: {  	s0 =	sand.u32 $0x40, s0;
	s2 =	sshll.u32 s2, $0x6;
	[sflag:s17] =	ssyncset.done $0x0  }
0x133: {  	s21 =	sor.u32 s0, s3;
	s26 =	sadd.s32 $0x0, s2;
	[sflag:s17] =	ssyncadd.s32 $0xFFFFC000  }
0x134: {  	s2 =	sadd.s32 $0x30, s26;
	v9 =	vld [tilespmem:s21+$0x0]  }
0x135: {  	s20 =	sor.u32 $0x80, s2;
	v4 =	vld [tilespmem:s21+$0x10]  }
0x136: {  	s22 =	sor.u32 $0x80, s26;
	v18 =	vld [tilespmem:s20+$0x0]  }
0x137: {  	s4 =	simm.s32 $0x40;
	s5 =	simm.s32 $0x80;
	s0 =	sadd.s32 $0x20, s26;
	v39 =	vld [tilespmem:s22+$0x0]  }
0x138: {  	s24 =	sor.u32 $0x80, s0;
	s2 =	sand.u32 $0x3F00, s5;
	s0 =	sand.u32 $0x40, s4;
	v25 =	vld [tilespmem:s21+$0x30]  }
0x139: {  	s3 =	sadd.s32 $0x10, s26;
	s25 =	sor.u32 s0, s2;
	v21 =	vld [tilespmem:s21+$0x20]  }
0x13a: {  	s23 =	sor.u32 $0x80, s3;
	v19 =	vld [tilespmem:s25+$0x0]  }
0x13b: {  	v23 =	vld [tilespmem:s23+$0x0]  }
0x13c: {  	v1 =	vadd.f32 $-5.000000000e-01, v4  }
0x13d: {  	v3 =	vadd.f32 $1.258291200e+07, v9;
	v7 =	vadd.f32 $-5.000000000e-01, v9  }
0x13e: {  	v6 =	vmul.f32 v18, v0;
	v10 =	vadd.f32 $-5.000000000e-01, v25;
	v13 =	vadd.f32 $1.258291200e+07, v21  }
0x13f: {  	v8 =	vmul.f32 v39, v0;
	v17 =	vadd.f32 $-5.000000000e-01, v21;
	v38 =	vadd.f32 $1.258291200e+07, v19  }
0x140: {  	v12 =	vmul.f32 v23, v0;
	v58 =	vadd.f32 $-5.000000000e-01, v19;
	v1 =	vadd.f32 $1.258291200e+07, v1  }
0x141: {  	v2 =	vadd.f32 $-5.000000000e-01, v6;
	v11 =	vadd.f32 $1.258291200e+07, v8  }
0x142: {  	v15 =	vadd.f32 $1.258291200e+07, v12;
	v7 =	vadd.f32 $1.258291200e+07, v7  }
0x143: {  	v53 =	vadd.f32 $1.258291200e+07, v58;
	v1 =	vadd.f32 $-1.258291200e+07, v1  }
0x144: {  	v33 =	vld [tilespmem:s24+$0x0];
	v14 =	vadd.f32 $1.258291200e+07, v2;
	v2 =	vadd.f32 $-1.258291200e+07, v13  }
0x145: {  	v13 =	vadd.f32 $-5.000000000e-01, v8;
	v8 =	vadd.f32 $1.258291200e+07, v4  }
0x146: {  	v7 =	vadd.f32 $-1.258291200e+07, v7;
	v24 =	vadd.f32 $-1.258291200e+07, v15  }
0x147: {  	v15 =	vld [tilespmem:s25+$0x20];
	v5 =	vadd.f32 $5.000000000e-01, v1;
	v1 =	vadd.f32 $-1.258291200e+07, v14  }
0x148: {  	v8 =	vadd.f32 $-1.258291200e+07, v8;
	v35 =	vsub.f32 v21, v2  }
0x149: {  	v16 =	vmul.f32 v33, v0;
	v14 =	vadd.f32 $5.000000000e-01, v1;
	v1 =	vadd.f32 $-1.258291200e+07, v3  }
0x14a: {  	v26 =	vmul.f32 $1.732050780e+00, v24;
	v20 =	vsub.f32 v4, v8;
	v28 =	vsub.f32 v4, v5  }
0x14b: {  	v4 =	vadd.f32 $1.258291200e+07, v10;
	v10 =	vadd.f32 $1.258291200e+07, v16  }
0x14c: {  	v46 =	vsub.f32 v23, v26;
	v59 =	vadd.f32 $1.258291200e+07, v15  }
0x14d: {  	v37 =	vld [tilespmem:s25+$0x10];
	v41 =	vadd.f32 $-5.000000000e-01, v15;
	v22 =	vsub.f32 v9, v1  }
0x14e: {  	v3 =	vmul.f32 $1.732050780e+00, v14;
	v14 =	vadd.f32 $-5.000000000e-01, v16;
	v16 =	vadd.f32 $1.258291200e+07, v13  }
0x14f: {  	v13 =	vadd.f32 $1.258291200e+07, v6;
	v29 =	vadd.f32 $-1.258291200e+07, v10  }
0x150: {  	v10 =	vadd.f32 $-1.258291200e+07, v11;
	v4 =	vadd.f32 $-1.258291200e+07, v4  }
0x151: {  	v27 =	vsub.f32 v18, v3;
	v14 =	vadd.f32 $1.258291200e+07, v14  }
0x152: {  	p0 =	por !p0, !p0;
	s3 =	simm.s32 $0x1;
	v44 =	vadd.f32 $-1.258291200e+07, v16;
	v16 =	vadd.f32 $-5.000000000e-01, v37  }
0x153: {  	s3 =	simm.s32 @!p0 $0x0;
	v31 =	vadd.f32 $-1.258291200e+07, v13;
	v6 =	vadd.f32 $-1.258291200e+07, v14  }
0x154: {  	s3 =	sshll.u32 s3, $0x6;
	v43 =	vmul.f32 v20, v20;
	v14 =	vadd.f32 $1.258291200e+07, v17;
	v20 =	vadd.f32 $1.258291200e+07, v16  }
0x155: {  	s12 =	sadd.s32 $0x80, s3;
	v32 =	vmul.f32 v27, v27;
	v27 =	vmul.f32 v22, v22;
	v22 =	vadd.f32 $-1.258291200e+07, v59  }
0x156: {  	s0 =	sadd.s32 $0x20, s12;
	v44 =	vadd.f32 $5.000000000e-01, v44;
	v11 =	vadd.f32 $5.000000000e-01, v6  }
0x157: {  	s30 =	sor.u32 $0x80, s0;
	v6 =	vadd.f32 $5.000000000e-01, v7;
	v7 =	vmul.f32 $1.732050780e+00, v10;
	v10 =	vadd.f32 $-5.000000000e-01, v12  }
0x158: {  	v16 =	vld [tilespmem:s30+$0x0];
	v12 =	vadd.f32 $1.258291200e+07, v25;
	v56 =	vadd.f32 $-1.258291200e+07, v14  }
0x159: {  	v20 =	vadd.f32 $-1.258291200e+07, v20;
	v30 =	vsub.f32 v39, v7  }
0x15a: {  	v10 =	vadd.f32 $1.258291200e+07, v10;
	v13 =	vmul.f32 $1.732050780e+00, v11;
	v11 =	vadd.f32 $5.000000000e-01, v4  }
0x15b: {  	v40 =	vsub.f32 v9, v6;
	v14 =	vadd.f32 $-1.258291200e+07, v12  }
0x15c: {  	v54 =	vmul.f32 v28, v28;
	v24 =	vadd.f32 $5.000000000e-01, v56;
	v17 =	vadd.f32 $-1.258291200e+07, v10  }
0x15d: {  	s26 =	sor.u32 $0x80, s12;
	s16 =	sadd.s32 $0x30, s12;
	v9 =	vld [tilespmem:s25+$0x30];
	v55 =	vmul.f32 v16, v0;
	v34 =	vsub.f32 v33, v13;
	v57 =	vsub.f32 v25, v11  }
0x15e: {  	s28 =	sor.u32 $0x80, s16;
	v4 =	vld [tilespmem:s26+$0x0];
	v28 =	vmul.f32 v30, v30;
	v30 =	vadd.f32 $5.000000000e-01, v20;
	v20 =	vmul.f32 $1.732050780e+00, v31  }
0x15f: {  	s14 =	sadd.s32 $0x10, s12;
	v12 =	vld [tilespmem:s28+$0x0];
	v21 =	vsub.f32 v21, v24;
	v42 =	vadd.f32 $5.000000000e-01, v17;
	v62 =	vmul.f32 v57, v57  }
0x160: {  	s29 =	sor.u32 $0x80, s14;
	v49 =	vmul.f32 v34, v34;
	v56 =	vsub.f32 v18, v20;
	v57 =	vmul.f32 v46, v46  }
0x161: {  	v10 =	vld [tilespmem:s29+$0x0];
	v58 =	vmul.f32 v21, v21;
	v21 =	vadd.f32 $-1.258291200e+07, v38;
	v46 =	vsub.f32 v25, v14  }
0x162: {  	v38 =	vmul.f32 $1.732050780e+00, v29;
	v45 =	vadd.f32 $-5.000000000e-01, v9;
	v34 =	vadd.f32 v32, v62  }
0x163: {  	v17 =	vmul.f32 v4, v0;
	v59 =	vsub.f32 v19, v21;
	v57 =	vadd.f32 v57, v43  }
0x164: {  	v48 =	vmul.f32 v12, v0;
	v62 =	vadd.f32 $1.258291200e+07, v55;
	v33 =	vsub.f32 v33, v38  }
0x165: {  	v49 =	vadd.f32 v49, v58;
	v47 =	vadd.f32 $1.258291200e+07, v17  }
0x166: {  	v51 =	vmul.f32 v10, v0;
	v60 =	vadd.f32 $-5.000000000e-01, v48;
	v31 =	vadd.f32 $-5.000000000e-01, v17  }
0x167: {  	v17 =	vsub.f32 v15, v22;
	v45 =	vadd.f32 $1.258291200e+07, v45  }
0x168: {  	v50 =	vadd.f32 $1.258291200e+07, v51;
	v61 =	vadd.f32 $1.258291200e+07, v60  }
0x169: {  	v60 =	vadd.f32 $1.258291200e+07, v37;
	v43 =	vadd.f32 $1.258291200e+07, v31  }
0x16a: {  	v42 =	vmul.f32 $1.732050780e+00, v42;
	v31 =	vadd.f32 $-1.258291200e+07, v62;
	v47 =	vadd.f32 $-1.258291200e+07, v47  }
0x16b: {  	v45 =	vadd.f32 $-1.258291200e+07, v45;
	v63 =	vadd.f32 $-1.258291200e+07, v61  }
0x16c: {  	v36 =	vadd.f32 $-1.258291200e+07, v60;
	v60 =	vsub.f32 v23, v42  }
0x16d: {  	v32 =	vmul.f32 $1.732050780e+00, v44;
	v61 =	vsub.f32 v37, v30;
	v18 =	vadd.f32 $5.000000000e-01, v63  }
0x16e: {  	v44 =	vmul.f32 v59, v59;
	v52 =	vsub.f32 v37, v36;
	v63 =	vadd.f32 $-5.000000000e-01, v55  }
0x16f: {  	v37 =	vmul.f32 v40, v40;
	v55 =	vadd.f32 $1.258291200e+07, v48;
	v60 =	vmul.f32 v60, v60  }
0x170: {  	v48 =	vadd.f32 $-1.258291200e+07, v50;
	v23 =	vmul.f32 v52, v52;
	v52 =	vadd.f32 $1.258291200e+07, v63  }
0x171: {  	v50 =	vmul.f32 v56, v56;
	v18 =	vmul.f32 $1.732050780e+00, v18;
	v63 =	vadd.f32 $-1.258291200e+07, v53  }
0x172: {  	v53 =	vmul.f32 v33, v33;
	v54 =	vadd.f32 v60, v54;
	v40 =	vadd.f32 $-1.258291200e+07, v52  }
0x173: {  	v25 =	vsub.f32 v12, v18;
	v52 =	vmul.f32 v35, v35;
	v33 =	vadd.f32 $5.000000000e-01, v63  }
0x174: {  	v35 =	vmul.f32 $1.732050780e+00, v47;
	v47 =	vsub.f32 v39, v32;
	v40 =	vadd.f32 $5.000000000e-01, v40  }
0x175: {  	s31 =	simm.s32 $0x4;
	v39 =	vadd.f32 $-5.000000000e-01, v51;
	v51 =	vadd.f32 $-1.258291200e+07, v55;
	v29 =	vmul.f32 v25, v25  }
0x176: {  	s2 =	simm.s32 $0x100;
	p0 =	por !p0, !p0;
	s0 =	simm.s32 $0x80;
	vm0 =	vle.f32 v57, v54;
	v25 =	vmul.f32 v61, v61;
	v40 =	vmul.f32 $1.732050780e+00, v40  }
.LBB2_6:
0x177: {  	s3 =	simm.s32 $0x1  }
0x178: {  	s4 =	sand.u32 $0x3F00, s2;
	s5 =	sand.u32 $0x40, s0;
	v54 =	vsub.f32 v4, v35;
	v52 =	vadd.f32 v53, v52;
	v46 =	vmul.f32 v46, v46;
	s3 =	simm.s32 @!p0 $0x0  }
0x179: {  	s31 =	sadd.s32 $0x4, s31;
	v53 =	vadd.f32 $1.258291200e+07, v9;
	v55 =	vsel vm0, v8, v5;
	v5 =	vmovc v30;
	v8 =	vmovc v36;
	s12 =	sor.u32 s5, s4;
	v39 =	vadd.f32 $1.258291200e+07, v39;
	s3 =	sshll.u32 s3, $0x6  }
0x17a: {  	v36 =	vadd.f32 $1.258291200e+07, v41;
	v41 =	vadd.f32 v28, v27;
	v42 =	vsel vm0, v26, v42;
	v27 =	vmovc v44;
	p1 =	slt.u32 s31, $0x1FC;
	s3 =	sadd.s32 s3, s2;
	v30 =	vld [tilespmem:s12+$0x0]  }
0x17b: {  	v56 =	vadd.f32 $5.000000000e-01, v45;
	v28 =	vmul.f32 v54, v54;
	v54 =	vadd.f32 $-1.258291200e+07, v39;
	s14 =	sor.u32 $0x80, s3;
	v44 =	vld [tilespmem:s12+$0x10];
	s4 =	sadd.s32 $0x10, s3;
	s5 =	sadd.s32 $0x20, s3  }
0x17c: {  	v45 =	vsub.f32 v19, v33;
	v26 =	vmul.f32 $1.732050780e+00, v48;
	v36 =	vadd.f32 $-1.258291200e+07, v36;
	s3 =	sadd.s32 $0x30, s3;
	s4 =	sor.u32 $0x80, s4;
	v57 =	vld [tilespmem:s12+$0x20];
	s5 =	sor.u32 $0x80, s5  }
0x17d: {  	v48 =	vadd.f32 $-1.258291200e+07, v53;
	vm0 =	vle.f32 v52, v49;
	v46 =	vadd.f32 v50, v46;
	s16 =	sor.u32 $0x80, s3;
	v39 =	vld [tilespmem:s14+$0x0]  }
0x17e: {  	v51 =	vmul.f32 $1.732050780e+00, v51;
	v50 =	vsub.f32 v16, v40;
	v52 =	vsub.f32 v9, v56;
	v49 =	vld [tilespmem:s12+$0x30]  }
0x17f: {  	v43 =	vadd.f32 $-1.258291200e+07, v43;
	v59 =	vsel vm0, v2, v24;
	v2 =	vmovc v22;
	v53 =	vadd.f32 $1.258291200e+07, v30;
	v58 =	vld [tilespmem:s4+$0x0];
	v19 =	vmovc v30  }
0x180: {  	v52 =	vmul.f32 v52, v52;
	v30 =	vsel vm0, v38, v13;
	v13 =	vmovc v40;
	v22 =	vadd.f32 $-5.000000000e-01, v44;
	v60 =	vld [tilespmem:s16+$0x0];
	[tilespmem:s21+$0x8010] =	vst v55  }
0x181: {  	v47 =	vmul.f32 v47, v47;
	v54 =	vadd.f32 $5.000000000e-01, v54;
	v38 =	vadd.f32 $-5.000000000e-01, v19;
	v40 =	vld [tilespmem:s5+$0x0];
	[tilespmem:s23+$0x8000] =	vst v42;
	s23 =	smov.u32 s29;
	s29 =	smov.u32 s4  }
0x182: {  	v24 =	vadd.f32 $5.000000000e-01, v36;
	v42 =	vmul.f32 v39, v0;
	v22 =	vadd.f32 $1.258291200e+07, v22;
	[tilespmem:s21+$0x8020] =	vst v59  }
0x183: {  	v36 =	vsub.f32 v10, v26;
	vm0 =	vle.f32 v46, v34;
	v55 =	vadd.f32 $-5.000000000e-01, v49;
	[tilespmem:s24+$0x8000] =	vst v30;
	s24 =	smov.u32 s30;
	s30 =	smov.u32 s5  }
0x184: {  	v30 =	vadd.f32 v47, v37;
	v59 =	vadd.f32 $1.258291200e+07, v42;
	v61 =	vmul.f32 v58, v0  }
0x185: {  	v34 =	vsel vm0, v14, v11;
	v11 =	vmovc v56;
	v14 =	vmovc v48;
	v22 =	vadd.f32 $-1.258291200e+07, v22;
	v47 =	vmul.f32 v60, v0  }
0x186: {  	v37 =	vadd.f32 $1.258291200e+07, v57;
	v48 =	vadd.f32 $1.258291200e+07, v61;
	v56 =	vmul.f32 v40, v0;
	[tilespmem:s21+$0x8030] =	vst v34  }
0x187: {  	v50 =	vmul.f32 v50, v50;
	vm1 =	vle.f32 v41, v30;
	v34 =	vadd.f32 $-5.000000000e-01, v47  }
0x188: {  	v30 =	vadd.f32 $5.000000000e-01, v22;
	v22 =	vadd.f32 $-1.258291200e+07, v37;
	v32 =	vsel vm1, v7, v32;
	v7 =	vmovc v35  }
0x189: {  	v35 =	vadd.f32 $-5.000000000e-01, v42;
	v37 =	vsel vm1, v1, v6;
	v1 =	vmovc v21;
	v6 =	vmovc v33;
	v34 =	vadd.f32 $1.258291200e+07, v34  }
0x18a: {  	v33 =	vadd.f32 $1.258291200e+07, v38;
	v21 =	vsel vm0, v20, v3;
	v20 =	vmovc v51;
	v62 =	vsub.f32 v57, v22;
	[tilespmem:s21+$0x8000] =	vst v37;
	s21 =	smov.u32 s25;
	s25 =	smov.u32 s12  }
0x18b: {  	v3 =	vmovc v18;
	v37 =	vsub.f32 v15, v24;
	v15 =	vmov v57;
	v34 =	vadd.f32 $-1.258291200e+07, v34;
	[tilespmem:s22+$0x8000] =	vst v32;
	s22 =	smov.u32 s26;
	s26 =	smov.u32 s14  }
0x18c: {  	v18 =	vadd.f32 $1.258291200e+07, v44;
	v51 =	vmul.f32 v36, v36;
	v57 =	vsub.f32 v12, v20;
	v12 =	vmovc v60;
	[tilespmem:s20+$0x8000] =	vst v21;
	s20 =	smov.u32 s28;
	s28 =	smov.u32 s16  }
0x18d: {  	v42 =	vmul.f32 $1.732050780e+00, v54;
	v41 =	vadd.f32 $-5.000000000e-01, v15;
	v32 =	vadd.f32 $5.000000000e-01, v34  }
0x18e: {  	v43 =	vadd.f32 $5.000000000e-01, v43;
	v36 =	vadd.f32 $-1.258291200e+07, v18;
	v54 =	vmul.f32 v37, v37  }
0x18f: {  	v21 =	vadd.f32 $-1.258291200e+07, v53;
	v34 =	vadd.f32 v29, v52;
	v18 =	vmul.f32 $1.732050780e+00, v32  }
0x190: {  	v46 =	vsub.f32 v9, v14;
	v9 =	vmovc v49;
	v38 =	vmul.f32 $1.732050780e+00, v31;
	v29 =	vsub.f32 v44, v36  }
0x191: {  	v52 =	vsub.f32 v10, v42;
	v10 =	vmovc v58;
	v49 =	vsub.f32 v19, v21;
	v32 =	vmul.f32 $1.732050780e+00, v43  }
0x192: {  	v58 =	vadd.f32 v51, v23;
	v23 =	vmul.f32 v29, v29;
	v31 =	vsub.f32 v12, v18  }
0x193: {  	v37 =	vmul.f32 v45, v45;
	v44 =	vsub.f32 v44, v30;
	v51 =	vadd.f32 $1.258291200e+07, v55  }
0x194: {  	v45 =	vadd.f32 $1.258291200e+07, v56;
	v53 =	vadd.f32 $-5.000000000e-01, v56;
	v29 =	vmul.f32 v31, v31  }
0x195: {  	v56 =	vadd.f32 $1.258291200e+07, v47;
	v43 =	vadd.f32 $1.258291200e+07, v35;
	v55 =	vmul.f32 v44, v44  }
0x196: {  	v35 =	vadd.f32 $1.258291200e+07, v53;
	v31 =	vadd.f32 $-1.258291200e+07, v45  }
0x197: {  	v47 =	vmul.f32 v52, v52;
	v53 =	vsub.f32 v16, v38;
	v16 =	vmovc v40;
	v45 =	vadd.f32 $-1.258291200e+07, v59  }
0x198: {  	v48 =	vadd.f32 $-1.258291200e+07, v48;
	v52 =	vmul.f32 v17, v17;
	v17 =	vmovc v62;
	v35 =	vadd.f32 $-1.258291200e+07, v35  }
.Ltmp2:
0x199: {  	v33 =	vadd.f32 $-1.258291200e+07, v33;
	v44 =	vmul.f32 v49, v49;
	v53 =	vmul.f32 v53, v53;
	(pc) =	sbr.rel @p1 .LBB2_6-.Ltmp2, $4  }
0x19a: {  	v49 =	vadd.f32 v50, v54;
	v50 =	vmul.f32 v57, v57;
	v40 =	vadd.f32 $5.000000000e-01, v35  }
0x19b: {  	v33 =	vadd.f32 $5.000000000e-01, v33;
	v54 =	vadd.f32 v47, v25;
	v25 =	vmovc v55;
	v35 =	vmul.f32 $1.732050780e+00, v45  }
0x19c: {  	v47 =	vsub.f32 v4, v32;
	v4 =	vmovc v39;
	v40 =	vmul.f32 $1.732050780e+00, v40;
	v45 =	vadd.f32 $-1.258291200e+07, v51  }
0x19d: {  	s0 =	sadd.s32 $0x40, s0;
	p0 =	por !p0, !p0;
	s2 =	sadd.s32 $0x80, s2;
	v39 =	vadd.f32 $-5.000000000e-01, v61;
	vm0 =	vle.f32 v58, v54;
	v51 =	vadd.f32 $-1.258291200e+07, v56  }
0x19e: {  	v54 =	vsub.f32 v4, v35;
	v52 =	vadd.f32 v53, v52;
	v46 =	vmul.f32 v46, v46  }
0x19f: {  	v59 =	vadd.f32 $1.258291200e+07, v9;
	v5 =	vsel vm0, v8, v5;
	v8 =	vadd.f32 $1.258291200e+07, v41  }
0x1a0: {  	v27 =	vadd.f32 v28, v27;
	v26 =	vsel vm0, v26, v42;
	v60 =	vadd.f32 $5.000000000e-01, v45  }
0x1a1: {  	v19 =	vsub.f32 v19, v33;
	v61 =	vmul.f32 $1.732050780e+00, v48;
	v63 =	vsub.f32 v16, v40  }
0x1a2: {  	v47 =	vmul.f32 v47, v47;
	v43 =	vadd.f32 $-1.258291200e+07, v43;
	v39 =	vadd.f32 $1.258291200e+07, v39  }
0x1a3: {  	v53 =	vmul.f32 $1.732050780e+00, v51;
	v8 =	vadd.f32 $-1.258291200e+07, v8;
	v62 =	vadd.f32 $-1.258291200e+07, v59  }
0x1a4: {  	vm0 =	vle.f32 v52, v49;
	v46 =	vadd.f32 v50, v46;
	v52 =	vsub.f32 v9, v60  }
0x1a5: {  	v28 =	vmul.f32 v54, v54;
	v37 =	vadd.f32 v47, v37;
	v39 =	vadd.f32 $-1.258291200e+07, v39  }
0x1a6: {  	v55 =	vsub.f32 v10, v61;
	v2 =	vsel vm0, v2, v24;
	v13 =	vsel vm0, v38, v13  }
0x1a7: {  	v12 =	vsub.f32 v12, v53;
	v24 =	vmul.f32 v52, v52;
	v54 =	vadd.f32 $5.000000000e-01, v39  }
0x1a8: {  	v8 =	vadd.f32 $5.000000000e-01, v8;
	vm0 =	vle.f32 v46, v34;
	vm1 =	vle.f32 v27, v37  }
0x1a9: {  	[tilespmem:s21+$0x8010] =	vst v5;
	v5 =	vmul.f32 v55, v55;
	v9 =	vsub.f32 v9, v62;
	v27 =	vmul.f32 $1.732050780e+00, v54  }
0x1aa: {  	v11 =	vsel vm0, v14, v11;
	v14 =	vmul.f32 v63, v63;
	v1 =	vsel vm1, v1, v6  }
0x1ab: {  	v6 =	vsub.f32 v15, v8;
	v15 =	vmul.f32 $1.732050780e+00, v31;
	v10 =	vsub.f32 v10, v27  }
0x1ac: {  	[tilespmem:s21+$0x8020] =	vst v2;
	v7 =	vsel vm1, v7, v32;
	v3 =	vsel vm0, v20, v3;
	v20 =	vadd.f32 $5.000000000e-01, v43  }
0x1ad: {  	[tilespmem:s24+$0x8000] =	vst v13;
	v2 =	vadd.f32 v29, v24;
	v16 =	vsub.f32 v16, v15;
	v10 =	vmul.f32 v10, v10  }
0x1ae: {  	v5 =	vadd.f32 v5, v23;
	[tilespmem:s21+$0x8030] =	vst v11;
	v13 =	vmul.f32 $1.732050780e+00, v20;
	v6 =	vmul.f32 v6, v6  }
0x1af: {  	v11 =	vmul.f32 v17, v17;
	[tilespmem:s21+$0x8000] =	vst v1;
	v16 =	vmul.f32 v16, v16;
	v10 =	vadd.f32 v10, v25  }
0x1b0: {  	[tilespmem:s22+$0x8000] =	vst v7;
	v7 =	vmul.f32 v9, v9;
	v4 =	vsub.f32 v4, v13;
	v1 =	vadd.f32 v14, v6  }
0x1b1: {  	[tilespmem:s23+$0x8000] =	vst v26;
	v6 =	vmul.f32 v12, v12;
	vm0 =	vle.f32 v5, v10;
	v5 =	vadd.f32 v16, v11  }
0x1b2: {  	[tilespmem:s20+$0x8000] =	vst v3;
	v3 =	vmul.f32 v19, v19;
	v4 =	vmul.f32 v4, v4;
	v9 =	vsel vm0, v36, v30  }
0x1b3: {  	v10 =	vsel vm0, v61, v27;
	vm0 =	vle.f32 v5, v1;
	v1 =	vadd.f32 v6, v7;
	[tilespmem:s25+$0x8010] =	vst v9  }
0x1b4: {  	v3 =	vadd.f32 v4, v3;
	v5 =	vadd.f32 v28, v44;
	v6 =	vsel vm0, v22, v8;
	[tilespmem:s29+$0x8000] =	vst v10  }
0x1b5: {  	v4 =	vsel vm0, v15, v40;
	[tilespmem:s25+$0x8020] =	vst v6;
	vm0 =	vle.f32 v1, v2  }
0x1b6: {  	vm1 =	vle.f32 v5, v3;
	[tilespmem:s30+$0x8000] =	vst v4;
	v1 =	vsel vm0, v62, v60  }
0x1b7: {  	[tilespmem:s25+$0x8030] =	vst v1;
	v1 =	vsel vm1, v21, v33  }
0x1b8: {  	v2 =	vsel vm1, v35, v13;
	[tilespmem:s25+$0x8000] =	vst v1  }
0x1b9: {  	v1 =	vsel vm0, v53, v18;
	[tilespmem:s26+$0x8000] =	vst v2  }
0x1ba: {  	s0 =	simm.s32 $0x0;
	s2 =	simm.s32 $0x8000;
	[tilespmem:s28+$0x8000] =	vst v1  }
0x1bb: {  	[hbm4b:s9+s0] =	stream.linear.scatter [tilespmem:s2], [sflag:$0x3], $0x4000, $0x38;
	[tilespmem:$0x10000] =	vst v63  }
0x1bc: {  	_ =	swait.ge [sflag:s15], $0x4000  }
0x1bd: {  	[sflag:s15] =	ssyncset.done $0x0  }
0x1be: {  	p0 =	por $0x0, $0x0;
	s2 =	simm.s32 $0x1;
	[sflag:s15] =	ssyncadd.s32 $0xFFFFC000  }
0x1bf: {  	s3 =	sand.u32 $0x3F00, s0;
	s2 =	simm.s32 @!p0 $0x0;
	_ =	swait.ge [sflag:s18], $0x4000  }
0x1c0: {  	s0 =	sand.u32 $0x40, s0;
	s2 =	sshll.u32 s2, $0x6;
	[sflag:s18] =	ssyncset.done $0x0  }
0x1c1: {  	s21 =	sor.u32 s0, s3;
	s26 =	sadd.s32 $0x0, s2;
	[sflag:s18] =	ssyncadd.s32 $0xFFFFC000  }
0x1c2: {  	s2 =	sadd.s32 $0x30, s26;
	v9 =	vld [tilespmem:s21+$0x4000]  }
0x1c3: {  	s20 =	sor.u32 $0x80, s2;
	v4 =	vld [tilespmem:s21+$0x4010]  }
0x1c4: {  	s22 =	sor.u32 $0x80, s26;
	v18 =	vld [tilespmem:s20+$0x4000]  }
0x1c5: {  	s4 =	simm.s32 $0x40;
	s5 =	simm.s32 $0x80;
	s0 =	sadd.s32 $0x20, s26;
	v39 =	vld [tilespmem:s22+$0x4000]  }
0x1c6: {  	s24 =	sor.u32 $0x80, s0;
	s2 =	sand.u32 $0x3F00, s5;
	s0 =	sand.u32 $0x40, s4;
	v25 =	vld [tilespmem:s21+$0x4030]  }
0x1c7: {  	s3 =	sadd.s32 $0x10, s26;
	s25 =	sor.u32 s0, s2;
	v21 =	vld [tilespmem:s21+$0x4020]  }
0x1c8: {  	s23 =	sor.u32 $0x80, s3;
	v19 =	vld [tilespmem:s25+$0x4000]  }
0x1c9: {  	v23 =	vld [tilespmem:s23+$0x4000]  }
0x1ca: {  	v1 =	vadd.f32 $-5.000000000e-01, v4  }
0x1cb: {  	v3 =	vadd.f32 $1.258291200e+07, v9;
	v7 =	vadd.f32 $-5.000000000e-01, v9  }
0x1cc: {  	v6 =	vmul.f32 v18, v0;
	v10 =	vadd.f32 $-5.000000000e-01, v25;
	v13 =	vadd.f32 $1.258291200e+07, v21  }
0x1cd: {  	v8 =	vmul.f32 v39, v0;
	v17 =	vadd.f32 $-5.000000000e-01, v21;
	v38 =	vadd.f32 $1.258291200e+07, v19  }
0x1ce: {  	v12 =	vmul.f32 v23, v0;
	v58 =	vadd.f32 $-5.000000000e-01, v19;
	v1 =	vadd.f32 $1.258291200e+07, v1  }
0x1cf: {  	v2 =	vadd.f32 $-5.000000000e-01, v6;
	v11 =	vadd.f32 $1.258291200e+07, v8  }
0x1d0: {  	v15 =	vadd.f32 $1.258291200e+07, v12;
	v7 =	vadd.f32 $1.258291200e+07, v7  }
0x1d1: {  	v53 =	vadd.f32 $1.258291200e+07, v58;
	v1 =	vadd.f32 $-1.258291200e+07, v1  }
0x1d2: {  	v33 =	vld [tilespmem:s24+$0x4000];
	v14 =	vadd.f32 $1.258291200e+07, v2;
	v2 =	vadd.f32 $-1.258291200e+07, v13  }
0x1d3: {  	v13 =	vadd.f32 $-5.000000000e-01, v8;
	v8 =	vadd.f32 $1.258291200e+07, v4  }
0x1d4: {  	v7 =	vadd.f32 $-1.258291200e+07, v7;
	v24 =	vadd.f32 $-1.258291200e+07, v15  }
0x1d5: {  	v15 =	vld [tilespmem:s25+$0x4020];
	v5 =	vadd.f32 $5.000000000e-01, v1;
	v1 =	vadd.f32 $-1.258291200e+07, v14  }
0x1d6: {  	v8 =	vadd.f32 $-1.258291200e+07, v8;
	v35 =	vsub.f32 v21, v2  }
0x1d7: {  	v16 =	vmul.f32 v33, v0;
	v14 =	vadd.f32 $5.000000000e-01, v1;
	v1 =	vadd.f32 $-1.258291200e+07, v3  }
0x1d8: {  	v26 =	vmul.f32 $1.732050780e+00, v24;
	v20 =	vsub.f32 v4, v8;
	v28 =	vsub.f32 v4, v5  }
0x1d9: {  	v4 =	vadd.f32 $1.258291200e+07, v10;
	v10 =	vadd.f32 $1.258291200e+07, v16  }
0x1da: {  	v46 =	vsub.f32 v23, v26;
	v59 =	vadd.f32 $1.258291200e+07, v15  }
0x1db: {  	v37 =	vld [tilespmem:s25+$0x4010];
	v41 =	vadd.f32 $-5.000000000e-01, v15;
	v22 =	vsub.f32 v9, v1  }
0x1dc: {  	v3 =	vmul.f32 $1.732050780e+00, v14;
	v14 =	vadd.f32 $-5.000000000e-01, v16;
	v16 =	vadd.f32 $1.258291200e+07, v13  }
0x1dd: {  	v13 =	vadd.f32 $1.258291200e+07, v6;
	v29 =	vadd.f32 $-1.258291200e+07, v10  }
0x1de: {  	v10 =	vadd.f32 $-1.258291200e+07, v11;
	v4 =	vadd.f32 $-1.258291200e+07, v4  }
0x1df: {  	v27 =	vsub.f32 v18, v3;
	v14 =	vadd.f32 $1.258291200e+07, v14  }
0x1e0: {  	p0 =	por !p0, !p0;
	s3 =	simm.s32 $0x1;
	v44 =	vadd.f32 $-1.258291200e+07, v16;
	v16 =	vadd.f32 $-5.000000000e-01, v37  }
0x1e1: {  	s3 =	simm.s32 @!p0 $0x0;
	v31 =	vadd.f32 $-1.258291200e+07, v13;
	v6 =	vadd.f32 $-1.258291200e+07, v14  }
0x1e2: {  	s3 =	sshll.u32 s3, $0x6;
	v43 =	vmul.f32 v20, v20;
	v14 =	vadd.f32 $1.258291200e+07, v17;
	v20 =	vadd.f32 $1.258291200e+07, v16  }
0x1e3: {  	s12 =	sadd.s32 $0x80, s3;
	v32 =	vmul.f32 v27, v27;
	v27 =	vmul.f32 v22, v22;
	v22 =	vadd.f32 $-1.258291200e+07, v59  }
0x1e4: {  	s0 =	sadd.s32 $0x20, s12;
	v44 =	vadd.f32 $5.000000000e-01, v44;
	v11 =	vadd.f32 $5.000000000e-01, v6  }
0x1e5: {  	s30 =	sor.u32 $0x80, s0;
	v6 =	vadd.f32 $5.000000000e-01, v7;
	v7 =	vmul.f32 $1.732050780e+00, v10;
	v10 =	vadd.f32 $-5.000000000e-01, v12  }
0x1e6: {  	v16 =	vld [tilespmem:s30+$0x4000];
	v12 =	vadd.f32 $1.258291200e+07, v25;
	v56 =	vadd.f32 $-1.258291200e+07, v14  }
0x1e7: {  	v20 =	vadd.f32 $-1.258291200e+07, v20;
	v30 =	vsub.f32 v39, v7  }
0x1e8: {  	v10 =	vadd.f32 $1.258291200e+07, v10;
	v13 =	vmul.f32 $1.732050780e+00, v11;
	v11 =	vadd.f32 $5.000000000e-01, v4  }
0x1e9: {  	v40 =	vsub.f32 v9, v6;
	v14 =	vadd.f32 $-1.258291200e+07, v12  }
0x1ea: {  	v54 =	vmul.f32 v28, v28;
	v24 =	vadd.f32 $5.000000000e-01, v56;
	v17 =	vadd.f32 $-1.258291200e+07, v10  }
0x1eb: {  	s26 =	sor.u32 $0x80, s12;
	s16 =	sadd.s32 $0x30, s12;
	v9 =	vld [tilespmem:s25+$0x4030];
	v55 =	vmul.f32 v16, v0;
	v34 =	vsub.f32 v33, v13;
	v57 =	vsub.f32 v25, v11  }
0x1ec: {  	s28 =	sor.u32 $0x80, s16;
	v4 =	vld [tilespmem:s26+$0x4000];
	v28 =	vmul.f32 v30, v30;
	v30 =	vadd.f32 $5.000000000e-01, v20;
	v20 =	vmul.f32 $1.732050780e+00, v31  }
0x1ed: {  	s14 =	sadd.s32 $0x10, s12;
	v12 =	vld [tilespmem:s28+$0x4000];
	v21 =	vsub.f32 v21, v24;
	v42 =	vadd.f32 $5.000000000e-01, v17;
	v62 =	vmul.f32 v57, v57  }
0x1ee: {  	s29 =	sor.u32 $0x80, s14;
	v49 =	vmul.f32 v34, v34;
	v56 =	vsub.f32 v18, v20;
	v57 =	vmul.f32 v46, v46  }
0x1ef: {  	v10 =	vld [tilespmem:s29+$0x4000];
	v58 =	vmul.f32 v21, v21;
	v21 =	vadd.f32 $-1.258291200e+07, v38;
	v46 =	vsub.f32 v25, v14  }
0x1f0: {  	v38 =	vmul.f32 $1.732050780e+00, v29;
	v45 =	vadd.f32 $-5.000000000e-01, v9;
	v34 =	vadd.f32 v32, v62  }
0x1f1: {  	v17 =	vmul.f32 v4, v0;
	v59 =	vsub.f32 v19, v21;
	v57 =	vadd.f32 v57, v43  }
0x1f2: {  	v48 =	vmul.f32 v12, v0;
	v62 =	vadd.f32 $1.258291200e+07, v55;
	v33 =	vsub.f32 v33, v38  }
0x1f3: {  	v49 =	vadd.f32 v49, v58;
	v47 =	vadd.f32 $1.258291200e+07, v17  }
0x1f4: {  	v51 =	vmul.f32 v10, v0;
	v60 =	vadd.f32 $-5.000000000e-01, v48;
	v31 =	vadd.f32 $-5.000000000e-01, v17  }
0x1f5: {  	v17 =	vsub.f32 v15, v22;
	v45 =	vadd.f32 $1.258291200e+07, v45  }
0x1f6: {  	v50 =	vadd.f32 $1.258291200e+07, v51;
	v61 =	vadd.f32 $1.258291200e+07, v60  }
0x1f7: {  	v60 =	vadd.f32 $1.258291200e+07, v37;
	v43 =	vadd.f32 $1.258291200e+07, v31  }
0x1f8: {  	v42 =	vmul.f32 $1.732050780e+00, v42;
	v31 =	vadd.f32 $-1.258291200e+07, v62;
	v47 =	vadd.f32 $-1.258291200e+07, v47  }
0x1f9: {  	v45 =	vadd.f32 $-1.258291200e+07, v45;
	v63 =	vadd.f32 $-1.258291200e+07, v61  }
0x1fa: {  	v36 =	vadd.f32 $-1.258291200e+07, v60;
	v60 =	vsub.f32 v23, v42  }
0x1fb: {  	v32 =	vmul.f32 $1.732050780e+00, v44;
	v61 =	vsub.f32 v37, v30;
	v18 =	vadd.f32 $5.000000000e-01, v63  }
0x1fc: {  	v44 =	vmul.f32 v59, v59;
	v52 =	vsub.f32 v37, v36;
	v63 =	vadd.f32 $-5.000000000e-01, v55  }
0x1fd: {  	v37 =	vmul.f32 v40, v40;
	v55 =	vadd.f32 $1.258291200e+07, v48;
	v60 =	vmul.f32 v60, v60  }
0x1fe: {  	v48 =	vadd.f32 $-1.258291200e+07, v50;
	v23 =	vmul.f32 v52, v52;
	v52 =	vadd.f32 $1.258291200e+07, v63  }
0x1ff: {  	v50 =	vmul.f32 v56, v56;
	v18 =	vmul.f32 $1.732050780e+00, v18;
	v63 =	vadd.f32 $-1.258291200e+07, v53  }
0x200: {  	v53 =	vmul.f32 v33, v33;
	v54 =	vadd.f32 v60, v54;
	v40 =	vadd.f32 $-1.258291200e+07, v52  }
0x201: {  	v25 =	vsub.f32 v12, v18;
	v52 =	vmul.f32 v35, v35;
	v33 =	vadd.f32 $5.000000000e-01, v63  }
0x202: {  	v35 =	vmul.f32 $1.732050780e+00, v47;
	v47 =	vsub.f32 v39, v32;
	v40 =	vadd.f32 $5.000000000e-01, v40  }
0x203: {  	s31 =	simm.s32 $0x4;
	v39 =	vadd.f32 $-5.000000000e-01, v51;
	v51 =	vadd.f32 $-1.258291200e+07, v55;
	v29 =	vmul.f32 v25, v25  }
0x204: {  	s2 =	simm.s32 $0x100;
	p0 =	por !p0, !p0;
	s0 =	simm.s32 $0x80;
	vm0 =	vle.f32 v57, v54;
	v25 =	vmul.f32 v61, v61;
	v40 =	vmul.f32 $1.732050780e+00, v40  }
.LBB2_8:
0x205: {  	s3 =	simm.s32 $0x1  }
0x206: {  	s4 =	sand.u32 $0x3F00, s2;
	s5 =	sand.u32 $0x40, s0;
	v54 =	vsub.f32 v4, v35;
	v52 =	vadd.f32 v53, v52;
	v46 =	vmul.f32 v46, v46;
	s3 =	simm.s32 @!p0 $0x0  }
0x207: {  	s31 =	sadd.s32 $0x4, s31;
	v53 =	vadd.f32 $1.258291200e+07, v9;
	v55 =	vsel vm0, v8, v5;
	v5 =	vmovc v30;
	v8 =	vmovc v36;
	s12 =	sor.u32 s5, s4;
	v39 =	vadd.f32 $1.258291200e+07, v39;
	s3 =	sshll.u32 s3, $0x6  }
0x208: {  	v36 =	vadd.f32 $1.258291200e+07, v41;
	v41 =	vadd.f32 v28, v27;
	v42 =	vsel vm0, v26, v42;
	v27 =	vmovc v44;
	p1 =	slt.u32 s31, $0x1FC;
	s3 =	sadd.s32 s3, s2;
	v30 =	vld [tilespmem:s12+$0x4000]  }
0x209: {  	v56 =	vadd.f32 $5.000000000e-01, v45;
	v28 =	vmul.f32 v54, v54;
	v54 =	vadd.f32 $-1.258291200e+07, v39;
	s14 =	sor.u32 $0x80, s3;
	v44 =	vld [tilespmem:s12+$0x4010];
	s4 =	sadd.s32 $0x10, s3;
	s5 =	sadd.s32 $0x20, s3  }
0x20a: {  	v45 =	vsub.f32 v19, v33;
	v26 =	vmul.f32 $1.732050780e+00, v48;
	v36 =	vadd.f32 $-1.258291200e+07, v36;
	s3 =	sadd.s32 $0x30, s3;
	s4 =	sor.u32 $0x80, s4;
	v57 =	vld [tilespmem:s12+$0x4020];
	s5 =	sor.u32 $0x80, s5  }
0x20b: {  	v48 =	vadd.f32 $-1.258291200e+07, v53;
	vm0 =	vle.f32 v52, v49;
	v46 =	vadd.f32 v50, v46;
	s16 =	sor.u32 $0x80, s3;
	v39 =	vld [tilespmem:s14+$0x4000]  }
0x20c: {  	v51 =	vmul.f32 $1.732050780e+00, v51;
	v50 =	vsub.f32 v16, v40;
	v52 =	vsub.f32 v9, v56;
	v49 =	vld [tilespmem:s12+$0x4030]  }
0x20d: {  	v43 =	vadd.f32 $-1.258291200e+07, v43;
	v59 =	vsel vm0, v2, v24;
	v2 =	vmovc v22;
	v53 =	vadd.f32 $1.258291200e+07, v30;
	v58 =	vld [tilespmem:s4+$0x4000];
	v19 =	vmovc v30  }
0x20e: {  	v52 =	vmul.f32 v52, v52;
	v30 =	vsel vm0, v38, v13;
	v13 =	vmovc v40;
	v22 =	vadd.f32 $-5.000000000e-01, v44;
	v60 =	vld [tilespmem:s16+$0x4000];
	[tilespmem:s21+$0xC010] =	vst v55  }
0x20f: {  	v47 =	vmul.f32 v47, v47;
	v54 =	vadd.f32 $5.000000000e-01, v54;
	v38 =	vadd.f32 $-5.000000000e-01, v19;
	v40 =	vld [tilespmem:s5+$0x4000];
	[tilespmem:s23+$0xC000] =	vst v42;
	s23 =	smov.u32 s29;
	s29 =	smov.u32 s4  }
0x210: {  	v24 =	vadd.f32 $5.000000000e-01, v36;
	v42 =	vmul.f32 v39, v0;
	v22 =	vadd.f32 $1.258291200e+07, v22;
	[tilespmem:s21+$0xC020] =	vst v59  }
0x211: {  	v36 =	vsub.f32 v10, v26;
	vm0 =	vle.f32 v46, v34;
	v55 =	vadd.f32 $-5.000000000e-01, v49;
	[tilespmem:s24+$0xC000] =	vst v30;
	s24 =	smov.u32 s30;
	s30 =	smov.u32 s5  }
0x212: {  	v30 =	vadd.f32 v47, v37;
	v59 =	vadd.f32 $1.258291200e+07, v42;
	v61 =	vmul.f32 v58, v0  }
0x213: {  	v34 =	vsel vm0, v14, v11;
	v11 =	vmovc v56;
	v14 =	vmovc v48;
	v22 =	vadd.f32 $-1.258291200e+07, v22;
	v47 =	vmul.f32 v60, v0  }
0x214: {  	v37 =	vadd.f32 $1.258291200e+07, v57;
	v48 =	vadd.f32 $1.258291200e+07, v61;
	v56 =	vmul.f32 v40, v0;
	[tilespmem:s21+$0xC030] =	vst v34  }
0x215: {  	v50 =	vmul.f32 v50, v50;
	vm1 =	vle.f32 v41, v30;
	v34 =	vadd.f32 $-5.000000000e-01, v47  }
0x216: {  	v30 =	vadd.f32 $5.000000000e-01, v22;
	v22 =	vadd.f32 $-1.258291200e+07, v37;
	v32 =	vsel vm1, v7, v32;
	v7 =	vmovc v35  }
0x217: {  	v35 =	vadd.f32 $-5.000000000e-01, v42;
	v37 =	vsel vm1, v1, v6;
	v1 =	vmovc v21;
	v6 =	vmovc v33;
	v34 =	vadd.f32 $1.258291200e+07, v34  }
0x218: {  	v33 =	vadd.f32 $1.258291200e+07, v38;
	v21 =	vsel vm0, v20, v3;
	v20 =	vmovc v51;
	v62 =	vsub.f32 v57, v22;
	[tilespmem:s21+$0xC000] =	vst v37;
	s21 =	smov.u32 s25;
	s25 =	smov.u32 s12  }
0x219: {  	v3 =	vmovc v18;
	v37 =	vsub.f32 v15, v24;
	v15 =	vmov v57;
	v34 =	vadd.f32 $-1.258291200e+07, v34;
	[tilespmem:s22+$0xC000] =	vst v32;
	s22 =	smov.u32 s26;
	s26 =	smov.u32 s14  }
0x21a: {  	v18 =	vadd.f32 $1.258291200e+07, v44;
	v51 =	vmul.f32 v36, v36;
	v57 =	vsub.f32 v12, v20;
	v12 =	vmovc v60;
	[tilespmem:s20+$0xC000] =	vst v21;
	s20 =	smov.u32 s28;
	s28 =	smov.u32 s16  }
0x21b: {  	v42 =	vmul.f32 $1.732050780e+00, v54;
	v41 =	vadd.f32 $-5.000000000e-01, v15;
	v32 =	vadd.f32 $5.000000000e-01, v34  }
0x21c: {  	v43 =	vadd.f32 $5.000000000e-01, v43;
	v36 =	vadd.f32 $-1.258291200e+07, v18;
	v54 =	vmul.f32 v37, v37  }
0x21d: {  	v21 =	vadd.f32 $-1.258291200e+07, v53;
	v34 =	vadd.f32 v29, v52;
	v18 =	vmul.f32 $1.732050780e+00, v32  }
0x21e: {  	v46 =	vsub.f32 v9, v14;
	v9 =	vmovc v49;
	v38 =	vmul.f32 $1.732050780e+00, v31;
	v29 =	vsub.f32 v44, v36  }
0x21f: {  	v52 =	vsub.f32 v10, v42;
	v10 =	vmovc v58;
	v49 =	vsub.f32 v19, v21;
	v32 =	vmul.f32 $1.732050780e+00, v43  }
0x220: {  	v58 =	vadd.f32 v51, v23;
	v23 =	vmul.f32 v29, v29;
	v31 =	vsub.f32 v12, v18  }
0x221: {  	v37 =	vmul.f32 v45, v45;
	v44 =	vsub.f32 v44, v30;
	v51 =	vadd.f32 $1.258291200e+07, v55  }
0x222: {  	v45 =	vadd.f32 $1.258291200e+07, v56;
	v53 =	vadd.f32 $-5.000000000e-01, v56;
	v29 =	vmul.f32 v31, v31  }
0x223: {  	v56 =	vadd.f32 $1.258291200e+07, v47;
	v43 =	vadd.f32 $1.258291200e+07, v35;
	v55 =	vmul.f32 v44, v44  }
0x224: {  	v35 =	vadd.f32 $1.258291200e+07, v53;
	v31 =	vadd.f32 $-1.258291200e+07, v45  }
0x225: {  	v47 =	vmul.f32 v52, v52;
	v53 =	vsub.f32 v16, v38;
	v16 =	vmovc v40;
	v45 =	vadd.f32 $-1.258291200e+07, v59  }
0x226: {  	v48 =	vadd.f32 $-1.258291200e+07, v48;
	v52 =	vmul.f32 v17, v17;
	v17 =	vmovc v62;
	v35 =	vadd.f32 $-1.258291200e+07, v35  }
.Ltmp3:
0x227: {  	v33 =	vadd.f32 $-1.258291200e+07, v33;
	v44 =	vmul.f32 v49, v49;
	v53 =	vmul.f32 v53, v53;
	(pc) =	sbr.rel @p1 .LBB2_8-.Ltmp3, $4  }
0x228: {  	v49 =	vadd.f32 v50, v54;
	v50 =	vmul.f32 v57, v57;
	v40 =	vadd.f32 $5.000000000e-01, v35  }
0x229: {  	v33 =	vadd.f32 $5.000000000e-01, v33;
	v54 =	vadd.f32 v47, v25;
	v25 =	vmovc v55;
	v35 =	vmul.f32 $1.732050780e+00, v45  }
0x22a: {  	v47 =	vsub.f32 v4, v32;
	v4 =	vmovc v39;
	v40 =	vmul.f32 $1.732050780e+00, v40;
	v45 =	vadd.f32 $-1.258291200e+07, v51  }
0x22b: {  	s0 =	sadd.s32 $0x40, s0;
	p0 =	por !p0, !p0;
	s2 =	sadd.s32 $0x80, s2;
	v39 =	vadd.f32 $-5.000000000e-01, v61;
	vm0 =	vle.f32 v58, v54;
	v51 =	vadd.f32 $-1.258291200e+07, v56  }
0x22c: {  	v54 =	vsub.f32 v4, v35;
	v52 =	vadd.f32 v53, v52  }
0x22d: {  	v46 =	vmul.f32 v46, v46;
	v57 =	vadd.f32 $1.258291200e+07, v9;
	v5 =	vsel vm0, v8, v5  }
0x22e: {  	v58 =	vadd.f32 $1.258291200e+07, v41;
	v27 =	vadd.f32 v28, v27;
	v26 =	vsel vm0, v26, v42  }
0x22f: {  	v41 =	vadd.f32 $5.000000000e-01, v45;
	v19 =	vsub.f32 v19, v33;
	v42 =	vmul.f32 $1.732050780e+00, v48  }
0x230: {  	v59 =	vsub.f32 v16, v40;
	v47 =	vmul.f32 v47, v47;
	v43 =	vadd.f32 $-1.258291200e+07, v43  }
0x231: {  	v48 =	vmul.f32 $1.732050780e+00, v31;
	v39 =	vadd.f32 $1.258291200e+07, v39;
	v8 =	vadd.f32 $-1.258291200e+07, v58  }
0x232: {  	v55 =	vmul.f32 v17, v17;
	v45 =	vadd.f32 $-1.258291200e+07, v57;
	v46 =	vadd.f32 v50, v46  }
0x233: {  	v28 =	vmul.f32 v54, v54;
	v60 =	vsub.f32 v9, v41;
	v37 =	vadd.f32 v47, v37  }
0x234: {  	v50 =	vmul.f32 $1.732050780e+00, v51;
	v63 =	vsub.f32 v10, v42;
	v51 =	vadd.f32 $5.000000000e-01, v43  }
0x235: {  	vm10 =	vle.f32 v52, v49;
	v52 =	vsub.f32 v16, v48;
	v39 =	vadd.f32 $-1.258291200e+07, v39  }
0x236: {  	v2 =	vsel vm10, v2, v24;
	v13 =	vsel vm10, v38, v13;
	v61 =	vmul.f32 v60, v60  }
0x237: {  	v8 =	vadd.f32 $5.000000000e-01, v8;
	vm11 =	vle.f32 v46, v34;
	vm1 =	vle.f32 v27, v37  }
0x238: {  	v37 =	vmul.f32 v59, v59;
	v47 =	vmul.f32 v63, v63;
	v12 =	vsub.f32 v12, v50  }
0x239: {  	v53 =	vsub.f32 v9, v45;
	v54 =	vmul.f32 $1.732050780e+00, v51;
	v62 =	vadd.f32 $5.000000000e-01, v39  }
0x23a: {  	[tilespmem:s21+$0xC010] =	vst v5;
	v16 =	vmul.f32 v52, v52;
	v11 =	vsel vm11, v14, v11;
	v46 =	vsub.f32 v15, v8  }
0x23b: {  	[tilespmem:s23+$0xC000] =	vst v26;
	v7 =	vsel vm1, v7, v32;
	v1 =	vsel vm1, v1, v6;
	v39 =	vmul.f32 $1.732050780e+00, v62  }
0x23c: {  	[tilespmem:s21+$0xC020] =	vst v2;
	v3 =	vsel vm11, v20, v3;
	v2 =	vadd.f32 v29, v61;
	v6 =	vmul.f32 v46, v46  }
0x23d: {  	[tilespmem:s21+$0xC030] =	vst v11;
	v56 =	vmul.f32 v12, v12;
	v57 =	vsub.f32 v4, v54;
	v49 =	vsub.f32 v10, v39  }
0x23e: {  	[tilespmem:s21+$0xC000] =	vst v1;
	v58 =	vadd.f32 v16, v55;
	v59 =	vmul.f32 v53, v53;
	v1 =	vadd.f32 v37, v6  }
0x23f: {  	v5 =	vadd.f32 v47, v23;
	[tilespmem:s20+$0xC000] =	vst v3;
	v3 =	vmul.f32 v19, v19;
	v10 =	vmul.f32 v49, v49  }
0x240: {  	[tilespmem:s24+$0xC000] =	vst v13;
	v4 =	vmul.f32 v57, v57;
	vm13 =	vle.f32 v58, v1;
	v1 =	vadd.f32 v56, v59  }
0x241: {  	v61 =	vadd.f32 v28, v44;
	[tilespmem:s22+$0xC000] =	vst v7;
	v10 =	vadd.f32 v10, v25;
	v62 =	vsel vm13, v22, v8  }
0x242: {  	v3 =	vadd.f32 v4, v3;
	v63 =	vsel vm13, v48, v40;
	[tilespmem:s25+$0xC020] =	vst v62;
	vm14 =	vle.f32 v1, v2  }
0x243: {  	vm12 =	vle.f32 v5, v10;
	[tilespmem:s30+$0xC000] =	vst v63;
	v1 =	vsel vm14, v45, v41  }
0x244: {  	vm15 =	vle.f32 v61, v3;
	v60 =	vsel vm12, v36, v30;
	[tilespmem:s25+$0xC030] =	vst v1  }
0x245: {  	v1 =	vsel vm15, v21, v33;
	[tilespmem:s25+$0xC010] =	vst v60  }
0x246: {  	v10 =	vsel vm12, v42, v39;
	[tilespmem:s25+$0xC000] =	vst v1  }
0x247: {  	v2 =	vsel vm15, v35, v54;
	[tilespmem:s29+$0xC000] =	vst v10  }
0x248: {  	v1 =	vsel vm14, v50, v18;
	[tilespmem:s26+$0xC000] =	vst v2  }
0x249: {  	s0 =	simm.s32 $0xC000;
	s19 =	sadd.s32 $0x1, s19;
	[tilespmem:s28+$0xC000] =	vst v1  }
0x24a: {  	[hbm4b:s10+s1] =	stream.linear.scatter [tilespmem:s0], [sflag:$0x4], $0x4000, $0x38;
	[tilespmem:$0x10000] =	vst v63  }
0x24b: {  	p0 =	sne.s32 s19, s11;
	_ =	swait.ge [sflag:s17], $0x4000  }
.Ltmp4:
0x24c: {  	[sflag:s17] =	ssyncset.done $0x0;
	(pc) =	sbr.rel @p0 .LBB2_1-.Ltmp4, $4  }
0x24d: {  	[sflag:s17] =	ssyncadd.s32 $0xFFFFC000  }
0x24e: {  	_ =	swait.ge [sflag:s18], $0x4000  }
0x24f: {  	[sflag:s18] =	ssyncset.done $0x0  }
0x250: {  	[sflag:s18] =	ssyncadd.s32 $0xFFFFC000  }
0x251: {  	_ =	sfence.sel $0x180000  }
0x252: {  	[bflag:$0x0] =	sbarrier.arrive $0xFFFF  }
0x253: {  	_ =	strace $0x90000047  }
0x254: {  	s0 =	stileid.u32;
	[bflag:$0x2] =	sbarrier.arrive $0xFFFF  }
0x255: {  	p0 =	sne.s32 s0, $0x0;
	s0 =	rddreg [dreg:$0x2]  }
0x256: {  	s0 =	sadd.s32 @!p0 $0x100000, s0  }
0x257: {  	[sflag:s0] =	ssyncadd.tile.s32 @!p0 $0x1;
	_ =	shalt  }
.Lfunc_end2:
_tile_overlayer_lowered:
.L_overlay_start_2:
0x258: {  	(tag) =	ssettag $0x2  }
0x259: {  	s0 =	rddreg [dreg:$0x0];
	s2 =	stileid.u32  }
0x25a: {  	s1 =	rddreg [dreg:$0x1];
	p0 =	sne.s32 s2, $0x0  }
0x25b: {  	s3 =	rddreg [dreg:$0x2];
	[bflag:$0x3] =	sbarrier.arrive $0xFFFF;
	s2 =	simm.s32 @!p0 $0x1C05  }
0x25c: {  	[timem:s3], [sflag:s2] =	dma.local @!p0 [hbm:s0], s1  }
0x25d: {  	s0 =	simm.s32 @!p0 $0x5  }
0x25e: {  	_ =	swait.ge @!p0 [sflag:s0], s1  }
0x25f: {  	s1 =	ssub.s32 @!p0 $0x0, s1;
	[sflag:s0] =	ssyncset.done @!p0 $0x0  }
0x260: {  	[sflag:s0] =	ssyncadd.s32 @!p0 s1  }
0x261: {  	[bflag:$0x3] =	sbarrier.arrive $0xFFFF  }
0x262: {  	_ =	shalt  }

</sc_bundles>
